<compile_context>
chip_gen: v7x
topology: tpu7x:2x2x1
jax: 0.10.2.dev20260603
libtpu: 0.0.44.dev20260713+nightly
codegen_flags: <defaults>
</compile_context>

<pallas_src>
import functools

import jax
import jax.numpy as jnp
from jax import lax
from jax.experimental import pallas as pl
from jax.experimental.pallas import tpu as pltpu
from jax.experimental.pallas import tpu_sc as plsc

NUM_CORES = 2
NUM_SUBCORES = 16
NUM_WORKERS = NUM_CORES * NUM_SUBCORES
CHUNK = 128
NBUF = 5
LAG = 1
LOOKAHEAD = NBUF - LAG


@functools.partial(jax.jit, static_argnums=(2, 3))
def _gather(ids2d, weight, b, d):
    b_per_w = b // NUM_WORKERS
    nchunks = b_per_w // CHUNK
    assert nchunks % NBUF == 0 and nchunks >= 2 * NBUF
    nouter = nchunks // NBUF
    mesh = plsc.VectorSubcoreMesh(core_axis_name="c", subcore_axis_name="s")

    @functools.partial(
        pl.kernel,
        out_type=jax.ShapeDtypeStruct((b, d), jnp.float32),
        mesh=mesh,
        scratch_types=[
            pltpu.VMEM((nchunks, CHUNK), jnp.int32),
            pltpu.VMEM((NBUF, CHUNK, d), jnp.float32),
            pltpu.SemaphoreType.DMA,
            pltpu.SemaphoreType.DMA,
        ],
    )
    def k(idx_hbm, table_hbm, out_hbm, idx_v, rows_v, gsem, ssem):
        wid = lax.axis_index("s") * NUM_CORES + lax.axis_index("c")
        cbase = wid * nchunks
        rbase = wid * b_per_w

        pltpu.sync_copy(idx_hbm.at[pl.ds(cbase, nchunks)], idx_v)

        def start_gather(buf, j):
            pltpu.async_copy(table_hbm.at[idx_v.at[j]], rows_v.at[buf], gsem)

        def wait_gather(buf):
            pltpu.make_async_copy(
                table_hbm.at[idx_v.at[0]], rows_v.at[buf], gsem
            ).wait()

        def start_store(buf, j):
            pltpu.async_copy(
                rows_v.at[buf], out_hbm.at[pl.ds(rbase + j * CHUNK, CHUNK)], ssem
            )

        def wait_store_one(buf):
            pltpu.make_async_copy(
                rows_v.at[buf], out_hbm.at[pl.ds(rbase, CHUNK)], ssem
            ).wait()

        def step(b, j, first_round, last_round):
            buf = b % NBUF
            wait_gather(buf)
            start_store(buf, j)
            if not (first_round and b < LAG):
                wait_store_one((b - LAG) % NBUF)
            if not (last_round and b >= NBUF - LOOKAHEAD):
                start_gather((b + LOOKAHEAD) % NBUF, j + LOOKAHEAD)

        for buf in range(LOOKAHEAD):
            start_gather(buf, buf)

        for b in range(NBUF):
            step(b, b, True, False)

        @pl.loop(1, nouter - 1)
        def _(t):
            for b in range(NBUF):
                step(b, t * NBUF + b, False, False)

        for b in range(NBUF):
            step(b, (nouter - 1) * NBUF + b, False, True)

        for b in range(LAG):
            wait_store_one((NBUF - LAG + b) % NBUF)

    return k(ids2d, weight)


def kernel(token_ids, weight):
    s, t = token_ids.shape
    n, d = weight.shape
    b = s * t
    ids2d = token_ids.reshape(b // CHUNK, CHUNK).astype(jnp.int32)
    out = _gather(ids2d, weight, b, d)
    return out.reshape(s, t, d)

# --- scband reference (transcript-rebuilt; emitter-appended) ---
"""Pipeline reference for scband-embedding-79224966742747 (READ-ONLY COPY).

The authoritative reference and input builder live on the scoring server;
editing this copy changes nothing except your own understanding.
"""

import jax, jax.numpy as jnp
import numpy as np

NUM_EMBEDDINGS = 100000
EMBEDDING_DIM = 128

def setup_inputs(seed: int = 0) -> dict:
    key = jax.random.key(seed)
    k_idx, k_w = jax.random.split(key)
    token_ids = jax.random.randint(k_idx, (4096, 200), 0, NUM_EMBEDDINGS, dtype=jnp.int64 if jax.config.jax_enable_x64 else jnp.int32)
    # trunc_normal_(normal(0,1), a=-3, b=3)
    weight = jax.random.truncated_normal(k_w, -3.0, 3.0, (NUM_EMBEDDINGS, EMBEDDING_DIM), dtype=jnp.float32)
    return {"token_ids": token_ids, "weight": weight}

def reference(token_ids, weight):
    # forward: self.weight[token_ids]
    return jnp.take(weight, token_ids, axis=0)

if __name__ == "__main__":
    import jax
    _d = setup_inputs()
    print(jax.jit(kernel)(*tuple(_d.values())))

</pallas_src>

<mosaic_0001>
#map = affine_map<(d0, d1) -> (0, 0)>
module attributes {stable_mosaic.version = 14 : i64} {
  func.func @k(%arg0: i32, %arg1: i32, %arg2: memref<6400x128xi32, #tpu.memory_space<hbm>>, %arg3: memref<100000x128xf32, #tpu.memory_space<hbm>>, %arg4: memref<819200x128xf32, #tpu.memory_space<hbm>>, %arg5: memref<200x128xi32, #tpu.memory_space<vmem>>, %arg6: memref<5x128x128xf32, #tpu.memory_space<vmem>>, %arg7: memref<!tpu.dma_semaphore, #tpu.memory_space<semaphore_mem>>, %arg8: memref<!tpu.dma_semaphore, #tpu.memory_space<semaphore_mem>>) attributes {dimension_semantics = [#tpu.dimension_semantics<core_parallel>, #tpu.dimension_semantics<subcore_parallel>], iteration_bounds = array<i64: 2, 16>, scalar_prefetch = 0 : i64, scratch_operands = 4 : i64, tpu.core_type = #tpu.core_type<sc_vector_subcore>, window_params = [{transform_indices = #map}, {transform_indices = #map}, {transform_indices = #map}]} {
    %mul3A = arith.constant 2 : i32
    %mul3A_0 = arith.muli %arg1, %mul3A : i32
    %add3A = arith.addi %mul3A_0, %arg0 : i32
    %mul3A_1 = arith.constant 200 : i32
    %mul3A_2 = arith.muli %add3A, %mul3A_1 : i32
    %mul3A_3 = arith.constant 25600 : i32
    %mul3A_4 = arith.muli %add3A, %mul3A_3 : i32
    "tpu.region"() ({
      %run_scoped3A = tpu.sem_alloc : memref<!tpu.dma_semaphore, #tpu.memory_space<semaphore_mem>>
      %dma_start3A_527 = arith.constant 0 : i32
      %dma_start3A_528 = tpu.memref_slice %arg2[%mul3A_2, %dma_start3A_527] : memref<6400x128xi32, #tpu.memory_space<hbm>> -> memref<200x128xi32, #tpu.memory_space<hbm>>
      %dma_start3A_529 = arith.constant 0 : i32
      %dma_start3A_530 = tpu.memref_slice %arg2[%mul3A_2, %dma_start3A_529] : memref<6400x128xi32, #tpu.memory_space<hbm>> -> memref<200x128xi32, #tpu.memory_space<hbm>>
      tpu.enqueue_dma source(%dma_start3A_530 : memref<200x128xi32, #tpu.memory_space<hbm>>) target(%arg5 : memref<200x128xi32, #tpu.memory_space<vmem>>) target_semaphore(%run_scoped3A : memref<!tpu.dma_semaphore, #tpu.memory_space<semaphore_mem>>)
      %dma_wait3A_531 = arith.constant 0 : i32
      %dma_wait3A_532 = tpu.memref_slice %arg2[%mul3A_2, %dma_wait3A_531] : memref<6400x128xi32, #tpu.memory_space<hbm>> -> memref<200x128xi32, #tpu.memory_space<hbm>>
      %dma_wait3A_533 = arith.constant 0 : i32
      %dma_wait3A_534 = tpu.memref_slice %arg2[%mul3A_2, %dma_wait3A_533] : memref<6400x128xi32, #tpu.memory_space<hbm>> -> memref<200x128xi32, #tpu.memory_space<hbm>>
      tpu.wait_dma2 semaphore(%run_scoped3A : memref<!tpu.dma_semaphore, #tpu.memory_space<semaphore_mem>>) src(%dma_wait3A_534 : memref<200x128xi32, #tpu.memory_space<hbm>>) dst(%arg5 : memref<200x128xi32, #tpu.memory_space<vmem>>)
      tpu.yield
    }) : () -> ()
    %dma_start3A = arith.constant 0 : i32
    %dma_start3A_5 = arith.constant 0 : i32
    %dma_start3A_6 = arith.constant 0 : i32
    %dma_start3A_7 = arith.constant 0 : i32
    %dma_start3A_8 = tpu.memref_slice %arg6[%dma_start3A_5, %dma_start3A_6, %dma_start3A_7] : memref<5x128x128xf32, #tpu.memory_space<vmem>> -> memref<1x128x128xf32, #tpu.memory_space<vmem>>
    %dma_start3A_9 = tpu.memref_squeeze %dma_start3A_8 : memref<1x128x128xf32, #tpu.memory_space<vmem>> -> memref<128x128xf32, #tpu.memory_space<vmem>>
    %dma_start3A_10 = arith.constant 0 : i32
    %dma_start3A_11 = tpu.memref_slice %arg5[%dma_start3A, %dma_start3A_10] : memref<200x128xi32, #tpu.memory_space<vmem>> -> memref<1x128xi32, #tpu.memory_space<vmem>>
    %dma_start3A_12 = tpu.memref_squeeze %dma_start3A_11 : memref<1x128xi32, #tpu.memory_space<vmem>> -> memref<128xi32, #tpu.memory_space<vmem>>
    %dma_start3A_13 = arith.constant 0 : i32
    %dma_start3A_14 = arith.constant 0 : i32
    %dma_start3A_15 = tpu.memref_slice %arg3[%dma_start3A_13, %dma_start3A_14] : memref<100000x128xf32, #tpu.memory_space<hbm>> -> memref<100000x128xf32, #tpu.memory_space<hbm>>
    tpu.enqueue_indirect_dma source(%dma_start3A_15 : memref<100000x128xf32, #tpu.memory_space<hbm>>) target(%dma_start3A_9 : memref<128x128xf32, #tpu.memory_space<vmem>>) offsets(%dma_start3A_12 : memref<128xi32, #tpu.memory_space<vmem>>) semaphore(%arg7 : memref<!tpu.dma_semaphore, #tpu.memory_space<semaphore_mem>>)
    %dma_start3A_16 = arith.constant 1 : i32
    %dma_start3A_17 = arith.constant 1 : i32
    %dma_start3A_18 = arith.constant 0 : i32
    %dma_start3A_19 = arith.constant 0 : i32
    %dma_start3A_20 = tpu.memref_slice %arg6[%dma_start3A_17, %dma_start3A_18, %dma_start3A_19] : memref<5x128x128xf32, #tpu.memory_space<vmem>> -> memref<1x128x128xf32, #tpu.memory_space<vmem>>
    %dma_start3A_21 = tpu.memref_squeeze %dma_start3A_20 : memref<1x128x128xf32, #tpu.memory_space<vmem>> -> memref<128x128xf32, #tpu.memory_space<vmem>>
    %dma_start3A_22 = arith.constant 0 : i32
    %dma_start3A_23 = tpu.memref_slice %arg5[%dma_start3A_16, %dma_start3A_22] : memref<200x128xi32, #tpu.memory_space<vmem>> -> memref<1x128xi32, #tpu.memory_space<vmem>>
    %dma_start3A_24 = tpu.memref_squeeze %dma_start3A_23 : memref<1x128xi32, #tpu.memory_space<vmem>> -> memref<128xi32, #tpu.memory_space<vmem>>
    %dma_start3A_25 = arith.constant 0 : i32
    %dma_start3A_26 = arith.constant 0 : i32
    %dma_start3A_27 = tpu.memref_slice %arg3[%dma_start3A_25, %dma_start3A_26] : memref<100000x128xf32, #tpu.memory_space<hbm>> -> memref<100000x128xf32, #tpu.memory_space<hbm>>
    tpu.enqueue_indirect_dma source(%dma_start3A_27 : memref<100000x128xf32, #tpu.memory_space<hbm>>) target(%dma_start3A_21 : memref<128x128xf32, #tpu.memory_space<vmem>>) offsets(%dma_start3A_24 : memref<128xi32, #tpu.memory_space<vmem>>) semaphore(%arg7 : memref<!tpu.dma_semaphore, #tpu.memory_space<semaphore_mem>>)
    %dma_start3A_28 = arith.constant 2 : i32
    %dma_start3A_29 = arith.constant 2 : i32
    %dma_start3A_30 = arith.constant 0 : i32
    %dma_start3A_31 = arith.constant 0 : i32
    %dma_start3A_32 = tpu.memref_slice %arg6[%dma_start3A_29, %dma_start3A_30, %dma_start3A_31] : memref<5x128x128xf32, #tpu.memory_space<vmem>> -> memref<1x128x128xf32, #tpu.memory_space<vmem>>
    %dma_start3A_33 = tpu.memref_squeeze %dma_start3A_32 : memref<1x128x128xf32, #tpu.memory_space<vmem>> -> memref<128x128xf32, #tpu.memory_space<vmem>>
    %dma_start3A_34 = arith.constant 0 : i32
    %dma_start3A_35 = tpu.memref_slice %arg5[%dma_start3A_28, %dma_start3A_34] : memref<200x128xi32, #tpu.memory_space<vmem>> -> memref<1x128xi32, #tpu.memory_space<vmem>>
    %dma_start3A_36 = tpu.memref_squeeze %dma_start3A_35 : memref<1x128xi32, #tpu.memory_space<vmem>> -> memref<128xi32, #tpu.memory_space<vmem>>
    %dma_start3A_37 = arith.constant 0 : i32
    %dma_start3A_38 = arith.constant 0 : i32
    %dma_start3A_39 = tpu.memref_slice %arg3[%dma_start3A_37, %dma_start3A_38] : memref<100000x128xf32, #tpu.memory_space<hbm>> -> memref<100000x128xf32, #tpu.memory_space<hbm>>
    tpu.enqueue_indirect_dma source(%dma_start3A_39 : memref<100000x128xf32, #tpu.memory_space<hbm>>) target(%dma_start3A_33 : memref<128x128xf32, #tpu.memory_space<vmem>>) offsets(%dma_start3A_36 : memref<128xi32, #tpu.memory_space<vmem>>) semaphore(%arg7 : memref<!tpu.dma_semaphore, #tpu.memory_space<semaphore_mem>>)
    %dma_start3A_40 = arith.constant 3 : i32
    %dma_start3A_41 = arith.constant 3 : i32
    %dma_start3A_42 = arith.constant 0 : i32
    %dma_start3A_43 = arith.constant 0 : i32
    %dma_start3A_44 = tpu.memref_slice %arg6[%dma_start3A_41, %dma_start3A_42, %dma_start3A_43] : memref<5x128x128xf32, #tpu.memory_space<vmem>> -> memref<1x128x128xf32, #tpu.memory_space<vmem>>
    %dma_start3A_45 = tpu.memref_squeeze %dma_start3A_44 : memref<1x128x128xf32, #tpu.memory_space<vmem>> -> memref<128x128xf32, #tpu.memory_space<vmem>>
    %dma_start3A_46 = arith.constant 0 : i32
    %dma_start3A_47 = tpu.memref_slice %arg5[%dma_start3A_40, %dma_start3A_46] : memref<200x128xi32, #tpu.memory_space<vmem>> -> memref<1x128xi32, #tpu.memory_space<vmem>>
    %dma_start3A_48 = tpu.memref_squeeze %dma_start3A_47 : memref<1x128xi32, #tpu.memory_space<vmem>> -> memref<128xi32, #tpu.memory_space<vmem>>
    %dma_start3A_49 = arith.constant 0 : i32
    %dma_start3A_50 = arith.constant 0 : i32
    %dma_start3A_51 = tpu.memref_slice %arg3[%dma_start3A_49, %dma_start3A_50] : memref<100000x128xf32, #tpu.memory_space<hbm>> -> memref<100000x128xf32, #tpu.memory_space<hbm>>
    tpu.enqueue_indirect_dma source(%dma_start3A_51 : memref<100000x128xf32, #tpu.memory_space<hbm>>) target(%dma_start3A_45 : memref<128x128xf32, #tpu.memory_space<vmem>>) offsets(%dma_start3A_48 : memref<128xi32, #tpu.memory_space<vmem>>) semaphore(%arg7 : memref<!tpu.dma_semaphore, #tpu.memory_space<semaphore_mem>>)
    %dma_wait3A = arith.constant 0 : i32
    %dma_wait3A_52 = arith.constant 0 : i32
    %dma_wait3A_53 = arith.constant 0 : i32
    %dma_wait3A_54 = arith.constant 0 : i32
    %dma_wait3A_55 = tpu.memref_slice %arg6[%dma_wait3A_52, %dma_wait3A_53, %dma_wait3A_54] : memref<5x128x128xf32, #tpu.memory_space<vmem>> -> memref<1x128x128xf32, #tpu.memory_space<vmem>>
    %dma_wait3A_56 = tpu.memref_squeeze %dma_wait3A_55 : memref<1x128x128xf32, #tpu.memory_space<vmem>> -> memref<128x128xf32, #tpu.memory_space<vmem>>
    %dma_wait3A_57 = arith.constant 0 : i32
    %dma_wait3A_58 = tpu.memref_slice %arg5[%dma_wait3A, %dma_wait3A_57] : memref<200x128xi32, #tpu.memory_space<vmem>> -> memref<1x128xi32, #tpu.memory_space<vmem>>
    %dma_wait3A_59 = tpu.memref_squeeze %dma_wait3A_58 : memref<1x128xi32, #tpu.memory_space<vmem>> -> memref<128xi32, #tpu.memory_space<vmem>>
    %dma_wait3A_60 = arith.constant 0 : i32
    %dma_wait3A_61 = arith.constant 0 : i32
    %dma_wait3A_62 = tpu.memref_slice %arg3[%dma_wait3A_60, %dma_wait3A_61] : memref<100000x128xf32, #tpu.memory_space<hbm>> -> memref<100000x128xf32, #tpu.memory_space<hbm>>
    tpu.wait_indirect_dma semaphore(%arg7 : memref<!tpu.dma_semaphore, #tpu.memory_space<semaphore_mem>>) src(%dma_wait3A_62 : memref<100000x128xf32, #tpu.memory_space<hbm>>) dst(%dma_wait3A_56 : memref<128x128xf32, #tpu.memory_space<vmem>>)
    %add3A_63 = arith.constant 0 : i32
    %add3A_64 = arith.addi %mul3A_4, %add3A_63 : i32
    %dma_start3A_65 = arith.constant 0 : i32
    %dma_start3A_66 = arith.constant 0 : i32
    %dma_start3A_67 = arith.constant 0 : i32
    %dma_start3A_68 = tpu.memref_slice %arg6[%dma_start3A_65, %dma_start3A_66, %dma_start3A_67] : memref<5x128x128xf32, #tpu.memory_space<vmem>> -> memref<1x128x128xf32, #tpu.memory_space<vmem>>
    %dma_start3A_69 = tpu.memref_squeeze %dma_start3A_68 : memref<1x128x128xf32, #tpu.memory_space<vmem>> -> memref<128x128xf32, #tpu.memory_space<vmem>>
    %dma_start3A_70 = arith.constant 0 : i32
    %dma_start3A_71 = tpu.memref_slice %arg4[%add3A_64, %dma_start3A_70] : memref<819200x128xf32, #tpu.memory_space<hbm>> -> memref<128x128xf32, #tpu.memory_space<hbm>>
    %dma_start3A_72 = arith.constant 0 : i32
    %dma_start3A_73 = tpu.memref_slice %arg4[%add3A_64, %dma_start3A_72] : memref<819200x128xf32, #tpu.memory_space<hbm>> -> memref<128x128xf32, #tpu.memory_space<hbm>>
    %dma_start3A_74 = arith.constant 0 : i32
    %dma_start3A_75 = arith.constant 0 : i32
    %dma_start3A_76 = tpu.memref_slice %arg6[%dma_start3A_65, %dma_start3A_74, %dma_start3A_75] : memref<5x128x128xf32, #tpu.memory_space<vmem>> -> memref<1x128x128xf32, #tpu.memory_space<vmem>>
    %dma_start3A_77 = tpu.memref_squeeze %dma_start3A_76 : memref<1x128x128xf32, #tpu.memory_space<vmem>> -> memref<128x128xf32, #tpu.memory_space<vmem>>
    tpu.enqueue_dma source(%dma_start3A_77 : memref<128x128xf32, #tpu.memory_space<vmem>>) target(%dma_start3A_73 : memref<128x128xf32, #tpu.memory_space<hbm>>) target_semaphore(%arg8 : memref<!tpu.dma_semaphore, #tpu.memory_space<semaphore_mem>>)
    %dma_start3A_78 = arith.constant 4 : i32
    %dma_start3A_79 = arith.constant 4 : i32
    %dma_start3A_80 = arith.constant 0 : i32
    %dma_start3A_81 = arith.constant 0 : i32
    %dma_start3A_82 = tpu.memref_slice %arg6[%dma_start3A_79, %dma_start3A_80, %dma_start3A_81] : memref<5x128x128xf32, #tpu.memory_space<vmem>> -> memref<1x128x128xf32, #tpu.memory_space<vmem>>
    %dma_start3A_83 = tpu.memref_squeeze %dma_start3A_82 : memref<1x128x128xf32, #tpu.memory_space<vmem>> -> memref<128x128xf32, #tpu.memory_space<vmem>>
    %dma_start3A_84 = arith.constant 0 : i32
    %dma_start3A_85 = tpu.memref_slice %arg5[%dma_start3A_78, %dma_start3A_84] : memref<200x128xi32, #tpu.memory_space<vmem>> -> memref<1x128xi32, #tpu.memory_space<vmem>>
    %dma_start3A_86 = tpu.memref_squeeze %dma_start3A_85 : memref<1x128xi32, #tpu.memory_space<vmem>> -> memref<128xi32, #tpu.memory_space<vmem>>
    %dma_start3A_87 = arith.constant 0 : i32
    %dma_start3A_88 = arith.constant 0 : i32
    %dma_start3A_89 = tpu.memref_slice %arg3[%dma_start3A_87, %dma_start3A_88] : memref<100000x128xf32, #tpu.memory_space<hbm>> -> memref<100000x128xf32, #tpu.memory_space<hbm>>
    tpu.enqueue_indirect_dma source(%dma_start3A_89 : memref<100000x128xf32, #tpu.memory_space<hbm>>) target(%dma_start3A_83 : memref<128x128xf32, #tpu.memory_space<vmem>>) offsets(%dma_start3A_86 : memref<128xi32, #tpu.memory_space<vmem>>) semaphore(%arg7 : memref<!tpu.dma_semaphore, #tpu.memory_space<semaphore_mem>>)
    %dma_wait3A_90 = arith.constant 0 : i32
    %dma_wait3A_91 = arith.constant 1 : i32
    %dma_wait3A_92 = arith.constant 0 : i32
    %dma_wait3A_93 = arith.constant 0 : i32
    %dma_wait3A_94 = tpu.memref_slice %arg6[%dma_wait3A_91, %dma_wait3A_92, %dma_wait3A_93] : memref<5x128x128xf32, #tpu.memory_space<vmem>> -> memref<1x128x128xf32, #tpu.memory_space<vmem>>
    %dma_wait3A_95 = tpu.memref_squeeze %dma_wait3A_94 : memref<1x128x128xf32, #tpu.memory_space<vmem>> -> memref<128x128xf32, #tpu.memory_space<vmem>>
    %dma_wait3A_96 = arith.constant 0 : i32
    %dma_wait3A_97 = tpu.memref_slice %arg5[%dma_wait3A_90, %dma_wait3A_96] : memref<200x128xi32, #tpu.memory_space<vmem>> -> memref<1x128xi32, #tpu.memory_space<vmem>>
    %dma_wait3A_98 = tpu.memref_squeeze %dma_wait3A_97 : memref<1x128xi32, #tpu.memory_space<vmem>> -> memref<128xi32, #tpu.memory_space<vmem>>
    %dma_wait3A_99 = arith.constant 0 : i32
    %dma_wait3A_100 = arith.constant 0 : i32
    %dma_wait3A_101 = tpu.memref_slice %arg3[%dma_wait3A_99, %dma_wait3A_100] : memref<100000x128xf32, #tpu.memory_space<hbm>> -> memref<100000x128xf32, #tpu.memory_space<hbm>>
    tpu.wait_indirect_dma semaphore(%arg7 : memref<!tpu.dma_semaphore, #tpu.memory_space<semaphore_mem>>) src(%dma_wait3A_101 : memref<100000x128xf32, #tpu.memory_space<hbm>>) dst(%dma_wait3A_95 : memref<128x128xf32, #tpu.memory_space<vmem>>)
    %add3A_102 = arith.constant 128 : i32
    %add3A_103 = arith.addi %mul3A_4, %add3A_102 : i32
    %dma_start3A_104 = arith.constant 1 : i32
    %dma_start3A_105 = arith.constant 0 : i32
    %dma_start3A_106 = arith.constant 0 : i32
    %dma_start3A_107 = tpu.memref_slice %arg6[%dma_start3A_104, %dma_start3A_105, %dma_start3A_106] : memref<5x128x128xf32, #tpu.memory_space<vmem>> -> memref<1x128x128xf32, #tpu.memory_space<vmem>>
    %dma_start3A_108 = tpu.memref_squeeze %dma_start3A_107 : memref<1x128x128xf32, #tpu.memory_space<vmem>> -> memref<128x128xf32, #tpu.memory_space<vmem>>
    %dma_start3A_109 = arith.constant 0 : i32
    %dma_start3A_110 = tpu.memref_slice %arg4[%add3A_103, %dma_start3A_109] : memref<819200x128xf32, #tpu.memory_space<hbm>> -> memref<128x128xf32, #tpu.memory_space<hbm>>
    %dma_start3A_111 = arith.constant 0 : i32
    %dma_start3A_112 = tpu.memref_slice %arg4[%add3A_103, %dma_start3A_111] : memref<819200x128xf32, #tpu.memory_space<hbm>> -> memref<128x128xf32, #tpu.memory_space<hbm>>
    %dma_start3A_113 = arith.constant 0 : i32
    %dma_start3A_114 = arith.constant 0 : i32
    %dma_start3A_115 = tpu.memref_slice %arg6[%dma_start3A_104, %dma_start3A_113, %dma_start3A_114] : memref<5x128x128xf32, #tpu.memory_space<vmem>> -> memref<1x128x128xf32, #tpu.memory_space<vmem>>
    %dma_start3A_116 = tpu.memref_squeeze %dma_start3A_115 : memref<1x128x128xf32, #tpu.memory_space<vmem>> -> memref<128x128xf32, #tpu.memory_space<vmem>>
    tpu.enqueue_dma source(%dma_start3A_116 : memref<128x128xf32, #tpu.memory_space<vmem>>) target(%dma_start3A_112 : memref<128x128xf32, #tpu.memory_space<hbm>>) target_semaphore(%arg8 : memref<!tpu.dma_semaphore, #tpu.memory_space<semaphore_mem>>)
    %dma_wait3A_117 = arith.constant 0 : i32
    %dma_wait3A_118 = arith.constant 0 : i32
    %dma_wait3A_119 = arith.constant 0 : i32
    %dma_wait3A_120 = tpu.memref_slice %arg6[%dma_wait3A_117, %dma_wait3A_118, %dma_wait3A_119] : memref<5x128x128xf32, #tpu.memory_space<vmem>> -> memref<1x128x128xf32, #tpu.memory_space<vmem>>
    %dma_wait3A_121 = tpu.memref_squeeze %dma_wait3A_120 : memref<1x128x128xf32, #tpu.memory_space<vmem>> -> memref<128x128xf32, #tpu.memory_space<vmem>>
    %dma_wait3A_122 = arith.constant 0 : i32
    %dma_wait3A_123 = tpu.memref_slice %arg4[%mul3A_4, %dma_wait3A_122] : memref<819200x128xf32, #tpu.memory_space<hbm>> -> memref<128x128xf32, #tpu.memory_space<hbm>>
    %dma_wait3A_124 = arith.constant 0 : i32
    %dma_wait3A_125 = tpu.memref_slice %arg4[%mul3A_4, %dma_wait3A_124] : memref<819200x128xf32, #tpu.memory_space<hbm>> -> memref<128x128xf32, #tpu.memory_space<hbm>>
    %dma_wait3A_126 = arith.constant 0 : i32
    %dma_wait3A_127 = arith.constant 0 : i32
    %dma_wait3A_128 = tpu.memref_slice %arg6[%dma_wait3A_117, %dma_wait3A_126, %dma_wait3A_127] : memref<5x128x128xf32, #tpu.memory_space<vmem>> -> memref<1x128x128xf32, #tpu.memory_space<vmem>>
    %dma_wait3A_129 = tpu.memref_squeeze %dma_wait3A_128 : memref<1x128x128xf32, #tpu.memory_space<vmem>> -> memref<128x128xf32, #tpu.memory_space<vmem>>
    tpu.wait_dma2 semaphore(%arg8 : memref<!tpu.dma_semaphore, #tpu.memory_space<semaphore_mem>>) src(%dma_wait3A_129 : memref<128x128xf32, #tpu.memory_space<vmem>>) dst(%dma_wait3A_125 : memref<128x128xf32, #tpu.memory_space<hbm>>)
    %dma_start3A_130 = arith.constant 5 : i32
    %dma_start3A_131 = arith.constant 0 : i32
    %dma_start3A_132 = arith.constant 0 : i32
    %dma_start3A_133 = arith.constant 0 : i32
    %dma_start3A_134 = tpu.memref_slice %arg6[%dma_start3A_131, %dma_start3A_132, %dma_start3A_133] : memref<5x128x128xf32, #tpu.memory_space<vmem>> -> memref<1x128x128xf32, #tpu.memory_space<vmem>>
    %dma_start3A_135 = tpu.memref_squeeze %dma_start3A_134 : memref<1x128x128xf32, #tpu.memory_space<vmem>> -> memref<128x128xf32, #tpu.memory_space<vmem>>
    %dma_start3A_136 = arith.constant 0 : i32
    %dma_start3A_137 = tpu.memref_slice %arg5[%dma_start3A_130, %dma_start3A_136] : memref<200x128xi32, #tpu.memory_space<vmem>> -> memref<1x128xi32, #tpu.memory_space<vmem>>
    %dma_start3A_138 = tpu.memref_squeeze %dma_start3A_137 : memref<1x128xi32, #tpu.memory_space<vmem>> -> memref<128xi32, #tpu.memory_space<vmem>>
    %dma_start3A_139 = arith.constant 0 : i32
    %dma_start3A_140 = arith.constant 0 : i32
    %dma_start3A_141 = tpu.memref_slice %arg3[%dma_start3A_139, %dma_start3A_140] : memref<100000x128xf32, #tpu.memory_space<hbm>> -> memref<100000x128xf32, #tpu.memory_space<hbm>>
    tpu.enqueue_indirect_dma source(%dma_start3A_141 : memref<100000x128xf32, #tpu.memory_space<hbm>>) target(%dma_start3A_135 : memref<128x128xf32, #tpu.memory_space<vmem>>) offsets(%dma_start3A_138 : memref<128xi32, #tpu.memory_space<vmem>>) semaphore(%arg7 : memref<!tpu.dma_semaphore, #tpu.memory_space<semaphore_mem>>)
    %dma_wait3A_142 = arith.constant 0 : i32
    %dma_wait3A_143 = arith.constant 2 : i32
    %dma_wait3A_144 = arith.constant 0 : i32
    %dma_wait3A_145 = arith.constant 0 : i32
    %dma_wait3A_146 = tpu.memref_slice %arg6[%dma_wait3A_143, %dma_wait3A_144, %dma_wait3A_145] : memref<5x128x128xf32, #tpu.memory_space<vmem>> -> memref<1x128x128xf32, #tpu.memory_space<vmem>>
    %dma_wait3A_147 = tpu.memref_squeeze %dma_wait3A_146 : memref<1x128x128xf32, #tpu.memory_space<vmem>> -> memref<128x128xf32, #tpu.memory_space<vmem>>
    %dma_wait3A_148 = arith.constant 0 : i32
    %dma_wait3A_149 = tpu.memref_slice %arg5[%dma_wait3A_142, %dma_wait3A_148] : memref<200x128xi32, #tpu.memory_space<vmem>> -> memref<1x128xi32, #tpu.memory_space<vmem>>
    %dma_wait3A_150 = tpu.memref_squeeze %dma_wait3A_149 : memref<1x128xi32, #tpu.memory_space<vmem>> -> memref<128xi32, #tpu.memory_space<vmem>>
    %dma_wait3A_151 = arith.constant 0 : i32
    %dma_wait3A_152 = arith.constant 0 : i32
    %dma_wait3A_153 = tpu.memref_slice %arg3[%dma_wait3A_151, %dma_wait3A_152] : memref<100000x128xf32, #tpu.memory_space<hbm>> -> memref<100000x128xf32, #tpu.memory_space<hbm>>
    tpu.wait_indirect_dma semaphore(%arg7 : memref<!tpu.dma_semaphore, #tpu.memory_space<semaphore_mem>>) src(%dma_wait3A_153 : memref<100000x128xf32, #tpu.memory_space<hbm>>) dst(%dma_wait3A_147 : memref<128x128xf32, #tpu.memory_space<vmem>>)
    %add3A_154 = arith.constant 256 : i32
    %add3A_155 = arith.addi %mul3A_4, %add3A_154 : i32
    %dma_start3A_156 = arith.constant 2 : i32
    %dma_start3A_157 = arith.constant 0 : i32
    %dma_start3A_158 = arith.constant 0 : i32
    %dma_start3A_159 = tpu.memref_slice %arg6[%dma_start3A_156, %dma_start3A_157, %dma_start3A_158] : memref<5x128x128xf32, #tpu.memory_space<vmem>> -> memref<1x128x128xf32, #tpu.memory_space<vmem>>
    %dma_start3A_160 = tpu.memref_squeeze %dma_start3A_159 : memref<1x128x128xf32, #tpu.memory_space<vmem>> -> memref<128x128xf32, #tpu.memory_space<vmem>>
    %dma_start3A_161 = arith.constant 0 : i32
    %dma_start3A_162 = tpu.memref_slice %arg4[%add3A_155, %dma_start3A_161] : memref<819200x128xf32, #tpu.memory_space<hbm>> -> memref<128x128xf32, #tpu.memory_space<hbm>>
    %dma_start3A_163 = arith.constant 0 : i32
    %dma_start3A_164 = tpu.memref_slice %arg4[%add3A_155, %dma_start3A_163] : memref<819200x128xf32, #tpu.memory_space<hbm>> -> memref<128x128xf32, #tpu.memory_space<hbm>>
    %dma_start3A_165 = arith.constant 0 : i32
    %dma_start3A_166 = arith.constant 0 : i32
    %dma_start3A_167 = tpu.memref_slice %arg6[%dma_start3A_156, %dma_start3A_165, %dma_start3A_166] : memref<5x128x128xf32, #tpu.memory_space<vmem>> -> memref<1x128x128xf32, #tpu.memory_space<vmem>>
    %dma_start3A_168 = tpu.memref_squeeze %dma_start3A_167 : memref<1x128x128xf32, #tpu.memory_space<vmem>> -> memref<128x128xf32, #tpu.memory_space<vmem>>
    tpu.enqueue_dma source(%dma_start3A_168 : memref<128x128xf32, #tpu.memory_space<vmem>>) target(%dma_start3A_164 : memref<128x128xf32, #tpu.memory_space<hbm>>) target_semaphore(%arg8 : memref<!tpu.dma_semaphore, #tpu.memory_space<semaphore_mem>>)
    %dma_wait3A_169 = arith.constant 1 : i32
    %dma_wait3A_170 = arith.constant 0 : i32
    %dma_wait3A_171 = arith.constant 0 : i32
    %dma_wait3A_172 = tpu.memref_slice %arg6[%dma_wait3A_169, %dma_wait3A_170, %dma_wait3A_171] : memref<5x128x128xf32, #tpu.memory_space<vmem>> -> memref<1x128x128xf32, #tpu.memory_space<vmem>>
    %dma_wait3A_173 = tpu.memref_squeeze %dma_wait3A_172 : memref<1x128x128xf32, #tpu.memory_space<vmem>> -> memref<128x128xf32, #tpu.memory_space<vmem>>
    %dma_wait3A_174 = arith.constant 0 : i32
    %dma_wait3A_175 = tpu.memref_slice %arg4[%mul3A_4, %dma_wait3A_174] : memref<819200x128xf32, #tpu.memory_space<hbm>> -> memref<128x128xf32, #tpu.memory_space<hbm>>
    %dma_wait3A_176 = arith.constant 0 : i32
    %dma_wait3A_177 = tpu.memref_slice %arg4[%mul3A_4, %dma_wait3A_176] : memref<819200x128xf32, #tpu.memory_space<hbm>> -> memref<128x128xf32, #tpu.memory_space<hbm>>
    %dma_wait3A_178 = arith.constant 0 : i32
    %dma_wait3A_179 = arith.constant 0 : i32
    %dma_wait3A_180 = tpu.memref_slice %arg6[%dma_wait3A_169, %dma_wait3A_178, %dma_wait3A_179] : memref<5x128x128xf32, #tpu.memory_space<vmem>> -> memref<1x128x128xf32, #tpu.memory_space<vmem>>
    %dma_wait3A_181 = tpu.memref_squeeze %dma_wait3A_180 : memref<1x128x128xf32, #tpu.memory_space<vmem>> -> memref<128x128xf32, #tpu.memory_space<vmem>>
    tpu.wait_dma2 semaphore(%arg8 : memref<!tpu.dma_semaphore, #tpu.memory_space<semaphore_mem>>) src(%dma_wait3A_181 : memref<128x128xf32, #tpu.memory_space<vmem>>) dst(%dma_wait3A_177 : memref<128x128xf32, #tpu.memory_space<hbm>>)
    %dma_start3A_182 = arith.constant 6 : i32
    %dma_start3A_183 = arith.constant 1 : i32
    %dma_start3A_184 = arith.constant 0 : i32
    %dma_start3A_185 = arith.constant 0 : i32
    %dma_start3A_186 = tpu.memref_slice %arg6[%dma_start3A_183, %dma_start3A_184, %dma_start3A_185] : memref<5x128x128xf32, #tpu.memory_space<vmem>> -> memref<1x128x128xf32, #tpu.memory_space<vmem>>
    %dma_start3A_187 = tpu.memref_squeeze %dma_start3A_186 : memref<1x128x128xf32, #tpu.memory_space<vmem>> -> memref<128x128xf32, #tpu.memory_space<vmem>>
    %dma_start3A_188 = arith.constant 0 : i32
    %dma_start3A_189 = tpu.memref_slice %arg5[%dma_start3A_182, %dma_start3A_188] : memref<200x128xi32, #tpu.memory_space<vmem>> -> memref<1x128xi32, #tpu.memory_space<vmem>>
    %dma_start3A_190 = tpu.memref_squeeze %dma_start3A_189 : memref<1x128xi32, #tpu.memory_space<vmem>> -> memref<128xi32, #tpu.memory_space<vmem>>
    %dma_start3A_191 = arith.constant 0 : i32
    %dma_start3A_192 = arith.constant 0 : i32
    %dma_start3A_193 = tpu.memref_slice %arg3[%dma_start3A_191, %dma_start3A_192] : memref<100000x128xf32, #tpu.memory_space<hbm>> -> memref<100000x128xf32, #tpu.memory_space<hbm>>
    tpu.enqueue_indirect_dma source(%dma_start3A_193 : memref<100000x128xf32, #tpu.memory_space<hbm>>) target(%dma_start3A_187 : memref<128x128xf32, #tpu.memory_space<vmem>>) offsets(%dma_start3A_190 : memref<128xi32, #tpu.memory_space<vmem>>) semaphore(%arg7 : memref<!tpu.dma_semaphore, #tpu.memory_space<semaphore_mem>>)
    %dma_wait3A_194 = arith.constant 0 : i32
    %dma_wait3A_195 = arith.constant 3 : i32
    %dma_wait3A_196 = arith.constant 0 : i32
    %dma_wait3A_197 = arith.constant 0 : i32
    %dma_wait3A_198 = tpu.memref_slice %arg6[%dma_wait3A_195, %dma_wait3A_196, %dma_wait3A_197] : memref<5x128x128xf32, #tpu.memory_space<vmem>> -> memref<1x128x128xf32, #tpu.memory_space<vmem>>
    %dma_wait3A_199 = tpu.memref_squeeze %dma_wait3A_198 : memref<1x128x128xf32, #tpu.memory_space<vmem>> -> memref<128x128xf32, #tpu.memory_space<vmem>>
    %dma_wait3A_200 = arith.constant 0 : i32
    %dma_wait3A_201 = tpu.memref_slice %arg5[%dma_wait3A_194, %dma_wait3A_200] : memref<200x128xi32, #tpu.memory_space<vmem>> -> memref<1x128xi32, #tpu.memory_space<vmem>>
    %dma_wait3A_202 = tpu.memref_squeeze %dma_wait3A_201 : memref<1x128xi32, #tpu.memory_space<vmem>> -> memref<128xi32, #tpu.memory_space<vmem>>
    %dma_wait3A_203 = arith.constant 0 : i32
    %dma_wait3A_204 = arith.constant 0 : i32
    %dma_wait3A_205 = tpu.memref_slice %arg3[%dma_wait3A_203, %dma_wait3A_204] : memref<100000x128xf32, #tpu.memory_space<hbm>> -> memref<100000x128xf32, #tpu.memory_space<hbm>>
    tpu.wait_indirect_dma semaphore(%arg7 : memref<!tpu.dma_semaphore, #tpu.memory_space<semaphore_mem>>) src(%dma_wait3A_205 : memref<100000x128xf32, #tpu.memory_space<hbm>>) dst(%dma_wait3A_199 : memref<128x128xf32, #tpu.memory_space<vmem>>)
    %add3A_206 = arith.constant 384 : i32
    %add3A_207 = arith.addi %mul3A_4, %add3A_206 : i32
    %dma_start3A_208 = arith.constant 3 : i32
    %dma_start3A_209 = arith.constant 0 : i32
    %dma_start3A_210 = arith.constant 0 : i32
    %dma_start3A_211 = tpu.memref_slice %arg6[%dma_start3A_208, %dma_start3A_209, %dma_start3A_210] : memref<5x128x128xf32, #tpu.memory_space<vmem>> -> memref<1x128x128xf32, #tpu.memory_space<vmem>>
    %dma_start3A_212 = tpu.memref_squeeze %dma_start3A_211 : memref<1x128x128xf32, #tpu.memory_space<vmem>> -> memref<128x128xf32, #tpu.memory_space<vmem>>
    %dma_start3A_213 = arith.constant 0 : i32
    %dma_start3A_214 = tpu.memref_slice %arg4[%add3A_207, %dma_start3A_213] : memref<819200x128xf32, #tpu.memory_space<hbm>> -> memref<128x128xf32, #tpu.memory_space<hbm>>
    %dma_start3A_215 = arith.constant 0 : i32
    %dma_start3A_216 = tpu.memref_slice %arg4[%add3A_207, %dma_start3A_215] : memref<819200x128xf32, #tpu.memory_space<hbm>> -> memref<128x128xf32, #tpu.memory_space<hbm>>
    %dma_start3A_217 = arith.constant 0 : i32
    %dma_start3A_218 = arith.constant 0 : i32
    %dma_start3A_219 = tpu.memref_slice %arg6[%dma_start3A_208, %dma_start3A_217, %dma_start3A_218] : memref<5x128x128xf32, #tpu.memory_space<vmem>> -> memref<1x128x128xf32, #tpu.memory_space<vmem>>
    %dma_start3A_220 = tpu.memref_squeeze %dma_start3A_219 : memref<1x128x128xf32, #tpu.memory_space<vmem>> -> memref<128x128xf32, #tpu.memory_space<vmem>>
    tpu.enqueue_dma source(%dma_start3A_220 : memref<128x128xf32, #tpu.memory_space<vmem>>) target(%dma_start3A_216 : memref<128x128xf32, #tpu.memory_space<hbm>>) target_semaphore(%arg8 : memref<!tpu.dma_semaphore, #tpu.memory_space<semaphore_mem>>)
    %dma_wait3A_221 = arith.constant 2 : i32
    %dma_wait3A_222 = arith.constant 0 : i32
    %dma_wait3A_223 = arith.constant 0 : i32
    %dma_wait3A_224 = tpu.memref_slice %arg6[%dma_wait3A_221, %dma_wait3A_222, %dma_wait3A_223] : memref<5x128x128xf32, #tpu.memory_space<vmem>> -> memref<1x128x128xf32, #tpu.memory_space<vmem>>
    %dma_wait3A_225 = tpu.memref_squeeze %dma_wait3A_224 : memref<1x128x128xf32, #tpu.memory_space<vmem>> -> memref<128x128xf32, #tpu.memory_space<vmem>>
    %dma_wait3A_226 = arith.constant 0 : i32
    %dma_wait3A_227 = tpu.memref_slice %arg4[%mul3A_4, %dma_wait3A_226] : memref<819200x128xf32, #tpu.memory_space<hbm>> -> memref<128x128xf32, #tpu.memory_space<hbm>>
    %dma_wait3A_228 = arith.constant 0 : i32
    %dma_wait3A_229 = tpu.memref_slice %arg4[%mul3A_4, %dma_wait3A_228] : memref<819200x128xf32, #tpu.memory_space<hbm>> -> memref<128x128xf32, #tpu.memory_space<hbm>>
    %dma_wait3A_230 = arith.constant 0 : i32
    %dma_wait3A_231 = arith.constant 0 : i32
    %dma_wait3A_232 = tpu.memref_slice %arg6[%dma_wait3A_221, %dma_wait3A_230, %dma_wait3A_231] : memref<5x128x128xf32, #tpu.memory_space<vmem>> -> memref<1x128x128xf32, #tpu.memory_space<vmem>>
    %dma_wait3A_233 = tpu.memref_squeeze %dma_wait3A_232 : memref<1x128x128xf32, #tpu.memory_space<vmem>> -> memref<128x128xf32, #tpu.memory_space<vmem>>
    tpu.wait_dma2 semaphore(%arg8 : memref<!tpu.dma_semaphore, #tpu.memory_space<semaphore_mem>>) src(%dma_wait3A_233 : memref<128x128xf32, #tpu.memory_space<vmem>>) dst(%dma_wait3A_229 : memref<128x128xf32, #tpu.memory_space<hbm>>)
    %dma_start3A_234 = arith.constant 7 : i32
    %dma_start3A_235 = arith.constant 2 : i32
    %dma_start3A_236 = arith.constant 0 : i32
    %dma_start3A_237 = arith.constant 0 : i32
    %dma_start3A_238 = tpu.memref_slice %arg6[%dma_start3A_235, %dma_start3A_236, %dma_start3A_237] : memref<5x128x128xf32, #tpu.memory_space<vmem>> -> memref<1x128x128xf32, #tpu.memory_space<vmem>>
    %dma_start3A_239 = tpu.memref_squeeze %dma_start3A_238 : memref<1x128x128xf32, #tpu.memory_space<vmem>> -> memref<128x128xf32, #tpu.memory_space<vmem>>
    %dma_start3A_240 = arith.constant 0 : i32
    %dma_start3A_241 = tpu.memref_slice %arg5[%dma_start3A_234, %dma_start3A_240] : memref<200x128xi32, #tpu.memory_space<vmem>> -> memref<1x128xi32, #tpu.memory_space<vmem>>
    %dma_start3A_242 = tpu.memref_squeeze %dma_start3A_241 : memref<1x128xi32, #tpu.memory_space<vmem>> -> memref<128xi32, #tpu.memory_space<vmem>>
    %dma_start3A_243 = arith.constant 0 : i32
    %dma_start3A_244 = arith.constant 0 : i32
    %dma_start3A_245 = tpu.memref_slice %arg3[%dma_start3A_243, %dma_start3A_244] : memref<100000x128xf32, #tpu.memory_space<hbm>> -> memref<100000x128xf32, #tpu.memory_space<hbm>>
    tpu.enqueue_indirect_dma source(%dma_start3A_245 : memref<100000x128xf32, #tpu.memory_space<hbm>>) target(%dma_start3A_239 : memref<128x128xf32, #tpu.memory_space<vmem>>) offsets(%dma_start3A_242 : memref<128xi32, #tpu.memory_space<vmem>>) semaphore(%arg7 : memref<!tpu.dma_semaphore, #tpu.memory_space<semaphore_mem>>)
    %dma_wait3A_246 = arith.constant 0 : i32
    %dma_wait3A_247 = arith.constant 4 : i32
    %dma_wait3A_248 = arith.constant 0 : i32
    %dma_wait3A_249 = arith.constant 0 : i32
    %dma_wait3A_250 = tpu.memref_slice %arg6[%dma_wait3A_247, %dma_wait3A_248, %dma_wait3A_249] : memref<5x128x128xf32, #tpu.memory_space<vmem>> -> memref<1x128x128xf32, #tpu.memory_space<vmem>>
    %dma_wait3A_251 = tpu.memref_squeeze %dma_wait3A_250 : memref<1x128x128xf32, #tpu.memory_space<vmem>> -> memref<128x128xf32, #tpu.memory_space<vmem>>
    %dma_wait3A_252 = arith.constant 0 : i32
    %dma_wait3A_253 = tpu.memref_slice %arg5[%dma_wait3A_246, %dma_wait3A_252] : memref<200x128xi32, #tpu.memory_space<vmem>> -> memref<1x128xi32, #tpu.memory_space<vmem>>
    %dma_wait3A_254 = tpu.memref_squeeze %dma_wait3A_253 : memref<1x128xi32, #tpu.memory_space<vmem>> -> memref<128xi32, #tpu.memory_space<vmem>>
    %dma_wait3A_255 = arith.constant 0 : i32
    %dma_wait3A_256 = arith.constant 0 : i32
    %dma_wait3A_257 = tpu.memref_slice %arg3[%dma_wait3A_255, %dma_wait3A_256] : memref<100000x128xf32, #tpu.memory_space<hbm>> -> memref<100000x128xf32, #tpu.memory_space<hbm>>
    tpu.wait_indirect_dma semaphore(%arg7 : memref<!tpu.dma_semaphore, #tpu.memory_space<semaphore_mem>>) src(%dma_wait3A_257 : memref<100000x128xf32, #tpu.memory_space<hbm>>) dst(%dma_wait3A_251 : memref<128x128xf32, #tpu.memory_space<vmem>>)
    %add3A_258 = arith.constant 512 : i32
    %add3A_259 = arith.addi %mul3A_4, %add3A_258 : i32
    %dma_start3A_260 = arith.constant 4 : i32
    %dma_start3A_261 = arith.constant 0 : i32
    %dma_start3A_262 = arith.constant 0 : i32
    %dma_start3A_263 = tpu.memref_slice %arg6[%dma_start3A_260, %dma_start3A_261, %dma_start3A_262] : memref<5x128x128xf32, #tpu.memory_space<vmem>> -> memref<1x128x128xf32, #tpu.memory_space<vmem>>
    %dma_start3A_264 = tpu.memref_squeeze %dma_start3A_263 : memref<1x128x128xf32, #tpu.memory_space<vmem>> -> memref<128x128xf32, #tpu.memory_space<vmem>>
    %dma_start3A_265 = arith.constant 0 : i32
    %dma_start3A_266 = tpu.memref_slice %arg4[%add3A_259, %dma_start3A_265] : memref<819200x128xf32, #tpu.memory_space<hbm>> -> memref<128x128xf32, #tpu.memory_space<hbm>>
    %dma_start3A_267 = arith.constant 0 : i32
    %dma_start3A_268 = tpu.memref_slice %arg4[%add3A_259, %dma_start3A_267] : memref<819200x128xf32, #tpu.memory_space<hbm>> -> memref<128x128xf32, #tpu.memory_space<hbm>>
    %dma_start3A_269 = arith.constant 0 : i32
    %dma_start3A_270 = arith.constant 0 : i32
    %dma_start3A_271 = tpu.memref_slice %arg6[%dma_start3A_260, %dma_start3A_269, %dma_start3A_270] : memref<5x128x128xf32, #tpu.memory_space<vmem>> -> memref<1x128x128xf32, #tpu.memory_space<vmem>>
    %dma_start3A_272 = tpu.memref_squeeze %dma_start3A_271 : memref<1x128x128xf32, #tpu.memory_space<vmem>> -> memref<128x128xf32, #tpu.memory_space<vmem>>
    tpu.enqueue_dma source(%dma_start3A_272 : memref<128x128xf32, #tpu.memory_space<vmem>>) target(%dma_start3A_268 : memref<128x128xf32, #tpu.memory_space<hbm>>) target_semaphore(%arg8 : memref<!tpu.dma_semaphore, #tpu.memory_space<semaphore_mem>>)
    %dma_wait3A_273 = arith.constant 3 : i32
    %dma_wait3A_274 = arith.constant 0 : i32
    %dma_wait3A_275 = arith.constant 0 : i32
    %dma_wait3A_276 = tpu.memref_slice %arg6[%dma_wait3A_273, %dma_wait3A_274, %dma_wait3A_275] : memref<5x128x128xf32, #tpu.memory_space<vmem>> -> memref<1x128x128xf32, #tpu.memory_space<vmem>>
    %dma_wait3A_277 = tpu.memref_squeeze %dma_wait3A_276 : memref<1x128x128xf32, #tpu.memory_space<vmem>> -> memref<128x128xf32, #tpu.memory_space<vmem>>
    %dma_wait3A_278 = arith.constant 0 : i32
    %dma_wait3A_279 = tpu.memref_slice %arg4[%mul3A_4, %dma_wait3A_278] : memref<819200x128xf32, #tpu.memory_space<hbm>> -> memref<128x128xf32, #tpu.memory_space<hbm>>
    %dma_wait3A_280 = arith.constant 0 : i32
    %dma_wait3A_281 = tpu.memref_slice %arg4[%mul3A_4, %dma_wait3A_280] : memref<819200x128xf32, #tpu.memory_space<hbm>> -> memref<128x128xf32, #tpu.memory_space<hbm>>
    %dma_wait3A_282 = arith.constant 0 : i32
    %dma_wait3A_283 = arith.constant 0 : i32
    %dma_wait3A_284 = tpu.memref_slice %arg6[%dma_wait3A_273, %dma_wait3A_282, %dma_wait3A_283] : memref<5x128x128xf32, #tpu.memory_space<vmem>> -> memref<1x128x128xf32, #tpu.memory_space<vmem>>
    %dma_wait3A_285 = tpu.memref_squeeze %dma_wait3A_284 : memref<1x128x128xf32, #tpu.memory_space<vmem>> -> memref<128x128xf32, #tpu.memory_space<vmem>>
    tpu.wait_dma2 semaphore(%arg8 : memref<!tpu.dma_semaphore, #tpu.memory_space<semaphore_mem>>) src(%dma_wait3A_285 : memref<128x128xf32, #tpu.memory_space<vmem>>) dst(%dma_wait3A_281 : memref<128x128xf32, #tpu.memory_space<hbm>>)
    %dma_start3A_286 = arith.constant 8 : i32
    %dma_start3A_287 = arith.constant 3 : i32
    %dma_start3A_288 = arith.constant 0 : i32
    %dma_start3A_289 = arith.constant 0 : i32
    %dma_start3A_290 = tpu.memref_slice %arg6[%dma_start3A_287, %dma_start3A_288, %dma_start3A_289] : memref<5x128x128xf32, #tpu.memory_space<vmem>> -> memref<1x128x128xf32, #tpu.memory_space<vmem>>
    %dma_start3A_291 = tpu.memref_squeeze %dma_start3A_290 : memref<1x128x128xf32, #tpu.memory_space<vmem>> -> memref<128x128xf32, #tpu.memory_space<vmem>>
    %dma_start3A_292 = arith.constant 0 : i32
    %dma_start3A_293 = tpu.memref_slice %arg5[%dma_start3A_286, %dma_start3A_292] : memref<200x128xi32, #tpu.memory_space<vmem>> -> memref<1x128xi32, #tpu.memory_space<vmem>>
    %dma_start3A_294 = tpu.memref_squeeze %dma_start3A_293 : memref<1x128xi32, #tpu.memory_space<vmem>> -> memref<128xi32, #tpu.memory_space<vmem>>
    %dma_start3A_295 = arith.constant 0 : i32
    %dma_start3A_296 = arith.constant 0 : i32
    %dma_start3A_297 = tpu.memref_slice %arg3[%dma_start3A_295, %dma_start3A_296] : memref<100000x128xf32, #tpu.memory_space<hbm>> -> memref<100000x128xf32, #tpu.memory_space<hbm>>
    tpu.enqueue_indirect_dma source(%dma_start3A_297 : memref<100000x128xf32, #tpu.memory_space<hbm>>) target(%dma_start3A_291 : memref<128x128xf32, #tpu.memory_space<vmem>>) offsets(%dma_start3A_294 : memref<128xi32, #tpu.memory_space<vmem>>) semaphore(%arg7 : memref<!tpu.dma_semaphore, #tpu.memory_space<semaphore_mem>>)
    %scan3A = arith.constant 0 : i32
    %scan3A_298 = arith.constant 38 : i32
    %scan3A_299 = arith.addi %scan3A, %scan3A_298 : i32
    %scan3A_300 = arith.constant 1 : i32
    scf.for %scan3A_527 = %scan3A to %scan3A_299 step %scan3A_300  : i32 {
      %mul3A_528 = arith.constant 1 : i32
      %mul3A_529 = arith.muli %scan3A_527, %mul3A_528 : i32
      %add3A_530 = arith.constant 1 : i32
      %add3A_531 = arith.addi %add3A_530, %mul3A_529 : i32
      %mul3A_532 = arith.constant 5 : i32
      %mul3A_533 = arith.muli %add3A_531, %mul3A_532 : i32
      %add3A_534 = arith.constant 0 : i32
      %add3A_535 = arith.addi %mul3A_533, %add3A_534 : i32
      %dma_wait3A_536 = arith.constant 0 : i32
      %dma_wait3A_537 = arith.constant 0 : i32
      %dma_wait3A_538 = arith.constant 0 : i32
      %dma_wait3A_539 = arith.constant 0 : i32
      %dma_wait3A_540 = tpu.memref_slice %arg6[%dma_wait3A_537, %dma_wait3A_538, %dma_wait3A_539] : memref<5x128x128xf32, #tpu.memory_space<vmem>> -> memref<1x128x128xf32, #tpu.memory_space<vmem>>
      %dma_wait3A_541 = tpu.memref_squeeze %dma_wait3A_540 : memref<1x128x128xf32, #tpu.memory_space<vmem>> -> memref<128x128xf32, #tpu.memory_space<vmem>>
      %dma_wait3A_542 = arith.constant 0 : i32
      %dma_wait3A_543 = tpu.memref_slice %arg5[%dma_wait3A_536, %dma_wait3A_542] : memref<200x128xi32, #tpu.memory_space<vmem>> -> memref<1x128xi32, #tpu.memory_space<vmem>>
      %dma_wait3A_544 = tpu.memref_squeeze %dma_wait3A_543 : memref<1x128xi32, #tpu.memory_space<vmem>> -> memref<128xi32, #tpu.memory_space<vmem>>
      %dma_wait3A_545 = arith.constant 0 : i32
      %dma_wait3A_546 = arith.constant 0 : i32
      %dma_wait3A_547 = tpu.memref_slice %arg3[%dma_wait3A_545, %dma_wait3A_546] : memref<100000x128xf32, #tpu.memory_space<hbm>> -> memref<100000x128xf32, #tpu.memory_space<hbm>>
      tpu.wait_indirect_dma semaphore(%arg7 : memref<!tpu.dma_semaphore, #tpu.memory_space<semaphore_mem>>) src(%dma_wait3A_547 : memref<100000x128xf32, #tpu.memory_space<hbm>>) dst(%dma_wait3A_541 : memref<128x128xf32, #tpu.memory_space<vmem>>)
      %mul3A_548 = arith.constant 128 : i32
      %mul3A_549 = arith.muli %add3A_535, %mul3A_548 : i32
      %add3A_550 = arith.addi %mul3A_4, %mul3A_549 : i32
      %dma_start3A_551 = arith.constant 0 : i32
      %dma_start3A_552 = arith.constant 0 : i32
      %dma_start3A_553 = arith.constant 0 : i32
      %dma_start3A_554 = tpu.memref_slice %arg6[%dma_start3A_551, %dma_start3A_552, %dma_start3A_553] : memref<5x128x128xf32, #tpu.memory_space<vmem>> -> memref<1x128x128xf32, #tpu.memory_space<vmem>>
      %dma_start3A_555 = tpu.memref_squeeze %dma_start3A_554 : memref<1x128x128xf32, #tpu.memory_space<vmem>> -> memref<128x128xf32, #tpu.memory_space<vmem>>
      %dma_start3A_556 = arith.constant 0 : i32
      %dma_start3A_557 = tpu.memref_slice %arg4[%add3A_550, %dma_start3A_556] : memref<819200x128xf32, #tpu.memory_space<hbm>> -> memref<128x128xf32, #tpu.memory_space<hbm>>
      %dma_start3A_558 = arith.constant 0 : i32
      %dma_start3A_559 = tpu.memref_slice %arg4[%add3A_550, %dma_start3A_558] : memref<819200x128xf32, #tpu.memory_space<hbm>> -> memref<128x128xf32, #tpu.memory_space<hbm>>
      %dma_start3A_560 = arith.constant 0 : i32
      %dma_start3A_561 = arith.constant 0 : i32
      %dma_start3A_562 = tpu.memref_slice %arg6[%dma_start3A_551, %dma_start3A_560, %dma_start3A_561] : memref<5x128x128xf32, #tpu.memory_space<vmem>> -> memref<1x128x128xf32, #tpu.memory_space<vmem>>
      %dma_start3A_563 = tpu.memref_squeeze %dma_start3A_562 : memref<1x128x128xf32, #tpu.memory_space<vmem>> -> memref<128x128xf32, #tpu.memory_space<vmem>>
      tpu.enqueue_dma source(%dma_start3A_563 : memref<128x128xf32, #tpu.memory_space<vmem>>) target(%dma_start3A_559 : memref<128x128xf32, #tpu.memory_space<hbm>>) target_semaphore(%arg8 : memref<!tpu.dma_semaphore, #tpu.memory_space<semaphore_mem>>)
      %dma_wait3A_564 = arith.constant 4 : i32
      %dma_wait3A_565 = arith.constant 0 : i32
      %dma_wait3A_566 = arith.constant 0 : i32
      %dma_wait3A_567 = tpu.memref_slice %arg6[%dma_wait3A_564, %dma_wait3A_565, %dma_wait3A_566] : memref<5x128x128xf32, #tpu.memory_space<vmem>> -> memref<1x128x128xf32, #tpu.memory_space<vmem>>
      %dma_wait3A_568 = tpu.memref_squeeze %dma_wait3A_567 : memref<1x128x128xf32, #tpu.memory_space<vmem>> -> memref<128x128xf32, #tpu.memory_space<vmem>>
      %dma_wait3A_569 = arith.constant 0 : i32
      %dma_wait3A_570 = tpu.memref_slice %arg4[%mul3A_4, %dma_wait3A_569] : memref<819200x128xf32, #tpu.memory_space<hbm>> -> memref<128x128xf32, #tpu.memory_space<hbm>>
      %dma_wait3A_571 = arith.constant 0 : i32
      %dma_wait3A_572 = tpu.memref_slice %arg4[%mul3A_4, %dma_wait3A_571] : memref<819200x128xf32, #tpu.memory_space<hbm>> -> memref<128x128xf32, #tpu.memory_space<hbm>>
      %dma_wait3A_573 = arith.constant 0 : i32
      %dma_wait3A_574 = arith.constant 0 : i32
      %dma_wait3A_575 = tpu.memref_slice %arg6[%dma_wait3A_564, %dma_wait3A_573, %dma_wait3A_574] : memref<5x128x128xf32, #tpu.memory_space<vmem>> -> memref<1x128x128xf32, #tpu.memory_space<vmem>>
      %dma_wait3A_576 = tpu.memref_squeeze %dma_wait3A_575 : memref<1x128x128xf32, #tpu.memory_space<vmem>> -> memref<128x128xf32, #tpu.memory_space<vmem>>
      tpu.wait_dma2 semaphore(%arg8 : memref<!tpu.dma_semaphore, #tpu.memory_space<semaphore_mem>>) src(%dma_wait3A_576 : memref<128x128xf32, #tpu.memory_space<vmem>>) dst(%dma_wait3A_572 : memref<128x128xf32, #tpu.memory_space<hbm>>)
      %add3A_577 = arith.constant 4 : i32
      %add3A_578 = arith.addi %add3A_535, %add3A_577 : i32
      %dma_start3A_579 = arith.constant 4 : i32
      %dma_start3A_580 = arith.constant 0 : i32
      %dma_start3A_581 = arith.constant 0 : i32
      %dma_start3A_582 = tpu.memref_slice %arg6[%dma_start3A_579, %dma_start3A_580, %dma_start3A_581] : memref<5x128x128xf32, #tpu.memory_space<vmem>> -> memref<1x128x128xf32, #tpu.memory_space<vmem>>
      %dma_start3A_583 = tpu.memref_squeeze %dma_start3A_582 : memref<1x128x128xf32, #tpu.memory_space<vmem>> -> memref<128x128xf32, #tpu.memory_space<vmem>>
      %dma_start3A_584 = arith.constant 0 : i32
      %dma_start3A_585 = tpu.memref_slice %arg5[%add3A_578, %dma_start3A_584] : memref<200x128xi32, #tpu.memory_space<vmem>> -> memref<1x128xi32, #tpu.memory_space<vmem>>
      %dma_start3A_586 = tpu.memref_squeeze %dma_start3A_585 : memref<1x128xi32, #tpu.memory_space<vmem>> -> memref<128xi32, #tpu.memory_space<vmem>>
      %dma_start3A_587 = arith.constant 0 : i32
      %dma_start3A_588 = arith.constant 0 : i32
      %dma_start3A_589 = tpu.memref_slice %arg3[%dma_start3A_587, %dma_start3A_588] : memref<100000x128xf32, #tpu.memory_space<hbm>> -> memref<100000x128xf32, #tpu.memory_space<hbm>>
      tpu.enqueue_indirect_dma source(%dma_start3A_589 : memref<100000x128xf32, #tpu.memory_space<hbm>>) target(%dma_start3A_583 : memref<128x128xf32, #tpu.memory_space<vmem>>) offsets(%dma_start3A_586 : memref<128xi32, #tpu.memory_space<vmem>>) semaphore(%arg7 : memref<!tpu.dma_semaphore, #tpu.memory_space<semaphore_mem>>)
      %mul3A_590 = arith.constant 5 : i32
      %mul3A_591 = arith.muli %add3A_531, %mul3A_590 : i32
      %add3A_592 = arith.constant 1 : i32
      %add3A_593 = arith.addi %mul3A_591, %add3A_592 : i32
      %dma_wait3A_594 = arith.constant 0 : i32
      %dma_wait3A_595 = arith.constant 1 : i32
      %dma_wait3A_596 = arith.constant 0 : i32
      %dma_wait3A_597 = arith.constant 0 : i32
      %dma_wait3A_598 = tpu.memref_slice %arg6[%dma_wait3A_595, %dma_wait3A_596, %dma_wait3A_597] : memref<5x128x128xf32, #tpu.memory_space<vmem>> -> memref<1x128x128xf32, #tpu.memory_space<vmem>>
      %dma_wait3A_599 = tpu.memref_squeeze %dma_wait3A_598 : memref<1x128x128xf32, #tpu.memory_space<vmem>> -> memref<128x128xf32, #tpu.memory_space<vmem>>
      %dma_wait3A_600 = arith.constant 0 : i32
      %dma_wait3A_601 = tpu.memref_slice %arg5[%dma_wait3A_594, %dma_wait3A_600] : memref<200x128xi32, #tpu.memory_space<vmem>> -> memref<1x128xi32, #tpu.memory_space<vmem>>
      %dma_wait3A_602 = tpu.memref_squeeze %dma_wait3A_601 : memref<1x128xi32, #tpu.memory_space<vmem>> -> memref<128xi32, #tpu.memory_space<vmem>>
      %dma_wait3A_603 = arith.constant 0 : i32
      %dma_wait3A_604 = arith.constant 0 : i32
      %dma_wait3A_605 = tpu.memref_slice %arg3[%dma_wait3A_603, %dma_wait3A_604] : memref<100000x128xf32, #tpu.memory_space<hbm>> -> memref<100000x128xf32, #tpu.memory_space<hbm>>
      tpu.wait_indirect_dma semaphore(%arg7 : memref<!tpu.dma_semaphore, #tpu.memory_space<semaphore_mem>>) src(%dma_wait3A_605 : memref<100000x128xf32, #tpu.memory_space<hbm>>) dst(%dma_wait3A_599 : memref<128x128xf32, #tpu.memory_space<vmem>>)
      %mul3A_606 = arith.constant 128 : i32
      %mul3A_607 = arith.muli %add3A_593, %mul3A_606 : i32
      %add3A_608 = arith.addi %mul3A_4, %mul3A_607 : i32
      %dma_start3A_609 = arith.constant 1 : i32
      %dma_start3A_610 = arith.constant 0 : i32
      %dma_start3A_611 = arith.constant 0 : i32
      %dma_start3A_612 = tpu.memref_slice %arg6[%dma_start3A_609, %dma_start3A_610, %dma_start3A_611] : memref<5x128x128xf32, #tpu.memory_space<vmem>> -> memref<1x128x128xf32, #tpu.memory_space<vmem>>
      %dma_start3A_613 = tpu.memref_squeeze %dma_start3A_612 : memref<1x128x128xf32, #tpu.memory_space<vmem>> -> memref<128x128xf32, #tpu.memory_space<vmem>>
      %dma_start3A_614 = arith.constant 0 : i32
      %dma_start3A_615 = tpu.memref_slice %arg4[%add3A_608, %dma_start3A_614] : memref<819200x128xf32, #tpu.memory_space<hbm>> -> memref<128x128xf32, #tpu.memory_space<hbm>>
      %dma_start3A_616 = arith.constant 0 : i32
      %dma_start3A_617 = tpu.memref_slice %arg4[%add3A_608, %dma_start3A_616] : memref<819200x128xf32, #tpu.memory_space<hbm>> -> memref<128x128xf32, #tpu.memory_space<hbm>>
      %dma_start3A_618 = arith.constant 0 : i32
      %dma_start3A_619 = arith.constant 0 : i32
      %dma_start3A_620 = tpu.memref_slice %arg6[%dma_start3A_609, %dma_start3A_618, %dma_start3A_619] : memref<5x128x128xf32, #tpu.memory_space<vmem>> -> memref<1x128x128xf32, #tpu.memory_space<vmem>>
      %dma_start3A_621 = tpu.memref_squeeze %dma_start3A_620 : memref<1x128x128xf32, #tpu.memory_space<vmem>> -> memref<128x128xf32, #tpu.memory_space<vmem>>
      tpu.enqueue_dma source(%dma_start3A_621 : memref<128x128xf32, #tpu.memory_space<vmem>>) target(%dma_start3A_617 : memref<128x128xf32, #tpu.memory_space<hbm>>) target_semaphore(%arg8 : memref<!tpu.dma_semaphore, #tpu.memory_space<semaphore_mem>>)
      %dma_wait3A_622 = arith.constant 0 : i32
      %dma_wait3A_623 = arith.constant 0 : i32
      %dma_wait3A_624 = arith.constant 0 : i32
      %dma_wait3A_625 = tpu.memref_slice %arg6[%dma_wait3A_622, %dma_wait3A_623, %dma_wait3A_624] : memref<5x128x128xf32, #tpu.memory_space<vmem>> -> memref<1x128x128xf32, #tpu.memory_space<vmem>>
      %dma_wait3A_626 = tpu.memref_squeeze %dma_wait3A_625 : memref<1x128x128xf32, #tpu.memory_space<vmem>> -> memref<128x128xf32, #tpu.memory_space<vmem>>
      %dma_wait3A_627 = arith.constant 0 : i32
      %dma_wait3A_628 = tpu.memref_slice %arg4[%mul3A_4, %dma_wait3A_627] : memref<819200x128xf32, #tpu.memory_space<hbm>> -> memref<128x128xf32, #tpu.memory_space<hbm>>
      %dma_wait3A_629 = arith.constant 0 : i32
      %dma_wait3A_630 = tpu.memref_slice %arg4[%mul3A_4, %dma_wait3A_629] : memref<819200x128xf32, #tpu.memory_space<hbm>> -> memref<128x128xf32, #tpu.memory_space<hbm>>
      %dma_wait3A_631 = arith.constant 0 : i32
      %dma_wait3A_632 = arith.constant 0 : i32
      %dma_wait3A_633 = tpu.memref_slice %arg6[%dma_wait3A_622, %dma_wait3A_631, %dma_wait3A_632] : memref<5x128x128xf32, #tpu.memory_space<vmem>> -> memref<1x128x128xf32, #tpu.memory_space<vmem>>
      %dma_wait3A_634 = tpu.memref_squeeze %dma_wait3A_633 : memref<1x128x128xf32, #tpu.memory_space<vmem>> -> memref<128x128xf32, #tpu.memory_space<vmem>>
      tpu.wait_dma2 semaphore(%arg8 : memref<!tpu.dma_semaphore, #tpu.memory_space<semaphore_mem>>) src(%dma_wait3A_634 : memref<128x128xf32, #tpu.memory_space<vmem>>) dst(%dma_wait3A_630 : memref<128x128xf32, #tpu.memory_space<hbm>>)
      %add3A_635 = arith.constant 4 : i32
      %add3A_636 = arith.addi %add3A_593, %add3A_635 : i32
      %dma_start3A_637 = arith.constant 0 : i32
      %dma_start3A_638 = arith.constant 0 : i32
      %dma_start3A_639 = arith.constant 0 : i32
      %dma_start3A_640 = tpu.memref_slice %arg6[%dma_start3A_637, %dma_start3A_638, %dma_start3A_639] : memref<5x128x128xf32, #tpu.memory_space<vmem>> -> memref<1x128x128xf32, #tpu.memory_space<vmem>>
      %dma_start3A_641 = tpu.memref_squeeze %dma_start3A_640 : memref<1x128x128xf32, #tpu.memory_space<vmem>> -> memref<128x128xf32, #tpu.memory_space<vmem>>
      %dma_start3A_642 = arith.constant 0 : i32
      %dma_start3A_643 = tpu.memref_slice %arg5[%add3A_636, %dma_start3A_642] : memref<200x128xi32, #tpu.memory_space<vmem>> -> memref<1x128xi32, #tpu.memory_space<vmem>>
      %dma_start3A_644 = tpu.memref_squeeze %dma_start3A_643 : memref<1x128xi32, #tpu.memory_space<vmem>> -> memref<128xi32, #tpu.memory_space<vmem>>
      %dma_start3A_645 = arith.constant 0 : i32
      %dma_start3A_646 = arith.constant 0 : i32
      %dma_start3A_647 = tpu.memref_slice %arg3[%dma_start3A_645, %dma_start3A_646] : memref<100000x128xf32, #tpu.memory_space<hbm>> -> memref<100000x128xf32, #tpu.memory_space<hbm>>
      tpu.enqueue_indirect_dma source(%dma_start3A_647 : memref<100000x128xf32, #tpu.memory_space<hbm>>) target(%dma_start3A_641 : memref<128x128xf32, #tpu.memory_space<vmem>>) offsets(%dma_start3A_644 : memref<128xi32, #tpu.memory_space<vmem>>) semaphore(%arg7 : memref<!tpu.dma_semaphore, #tpu.memory_space<semaphore_mem>>)
      %mul3A_648 = arith.constant 5 : i32
      %mul3A_649 = arith.muli %add3A_531, %mul3A_648 : i32
      %add3A_650 = arith.constant 2 : i32
      %add3A_651 = arith.addi %mul3A_649, %add3A_650 : i32
      %dma_wait3A_652 = arith.constant 0 : i32
      %dma_wait3A_653 = arith.constant 2 : i32
      %dma_wait3A_654 = arith.constant 0 : i32
      %dma_wait3A_655 = arith.constant 0 : i32
      %dma_wait3A_656 = tpu.memref_slice %arg6[%dma_wait3A_653, %dma_wait3A_654, %dma_wait3A_655] : memref<5x128x128xf32, #tpu.memory_space<vmem>> -> memref<1x128x128xf32, #tpu.memory_space<vmem>>
      %dma_wait3A_657 = tpu.memref_squeeze %dma_wait3A_656 : memref<1x128x128xf32, #tpu.memory_space<vmem>> -> memref<128x128xf32, #tpu.memory_space<vmem>>
      %dma_wait3A_658 = arith.constant 0 : i32
      %dma_wait3A_659 = tpu.memref_slice %arg5[%dma_wait3A_652, %dma_wait3A_658] : memref<200x128xi32, #tpu.memory_space<vmem>> -> memref<1x128xi32, #tpu.memory_space<vmem>>
      %dma_wait3A_660 = tpu.memref_squeeze %dma_wait3A_659 : memref<1x128xi32, #tpu.memory_space<vmem>> -> memref<128xi32, #tpu.memory_space<vmem>>
      %dma_wait3A_661 = arith.constant 0 : i32
      %dma_wait3A_662 = arith.constant 0 : i32
      %dma_wait3A_663 = tpu.memref_slice %arg3[%dma_wait3A_661, %dma_wait3A_662] : memref<100000x128xf32, #tpu.memory_space<hbm>> -> memref<100000x128xf32, #tpu.memory_space<hbm>>
      tpu.wait_indirect_dma semaphore(%arg7 : memref<!tpu.dma_semaphore, #tpu.memory_space<semaphore_mem>>) src(%dma_wait3A_663 : memref<100000x128xf32, #tpu.memory_space<hbm>>) dst(%dma_wait3A_657 : memref<128x128xf32, #tpu.memory_space<vmem>>)
      %mul3A_664 = arith.constant 128 : i32
      %mul3A_665 = arith.muli %add3A_651, %mul3A_664 : i32
      %add3A_666 = arith.addi %mul3A_4, %mul3A_665 : i32
      %dma_start3A_667 = arith.constant 2 : i32
      %dma_start3A_668 = arith.constant 0 : i32
      %dma_start3A_669 = arith.constant 0 : i32
      %dma_start3A_670 = tpu.memref_slice %arg6[%dma_start3A_667, %dma_start3A_668, %dma_start3A_669] : memref<5x128x128xf32, #tpu.memory_space<vmem>> -> memref<1x128x128xf32, #tpu.memory_space<vmem>>
      %dma_start3A_671 = tpu.memref_squeeze %dma_start3A_670 : memref<1x128x128xf32, #tpu.memory_space<vmem>> -> memref<128x128xf32, #tpu.memory_space<vmem>>
      %dma_start3A_672 = arith.constant 0 : i32
      %dma_start3A_673 = tpu.memref_slice %arg4[%add3A_666, %dma_start3A_672] : memref<819200x128xf32, #tpu.memory_space<hbm>> -> memref<128x128xf32, #tpu.memory_space<hbm>>
      %dma_start3A_674 = arith.constant 0 : i32
      %dma_start3A_675 = tpu.memref_slice %arg4[%add3A_666, %dma_start3A_674] : memref<819200x128xf32, #tpu.memory_space<hbm>> -> memref<128x128xf32, #tpu.memory_space<hbm>>
      %dma_start3A_676 = arith.constant 0 : i32
      %dma_start3A_677 = arith.constant 0 : i32
      %dma_start3A_678 = tpu.memref_slice %arg6[%dma_start3A_667, %dma_start3A_676, %dma_start3A_677] : memref<5x128x128xf32, #tpu.memory_space<vmem>> -> memref<1x128x128xf32, #tpu.memory_space<vmem>>
      %dma_start3A_679 = tpu.memref_squeeze %dma_start3A_678 : memref<1x128x128xf32, #tpu.memory_space<vmem>> -> memref<128x128xf32, #tpu.memory_space<vmem>>
      tpu.enqueue_dma source(%dma_start3A_679 : memref<128x128xf32, #tpu.memory_space<vmem>>) target(%dma_start3A_675 : memref<128x128xf32, #tpu.memory_space<hbm>>) target_semaphore(%arg8 : memref<!tpu.dma_semaphore, #tpu.memory_space<semaphore_mem>>)
      %dma_wait3A_680 = arith.constant 1 : i32
      %dma_wait3A_681 = arith.constant 0 : i32
      %dma_wait3A_682 = arith.constant 0 : i32
      %dma_wait3A_683 = tpu.memref_slice %arg6[%dma_wait3A_680, %dma_wait3A_681, %dma_wait3A_682] : memref<5x128x128xf32, #tpu.memory_space<vmem>> -> memref<1x128x128xf32, #tpu.memory_space<vmem>>
      %dma_wait3A_684 = tpu.memref_squeeze %dma_wait3A_683 : memref<1x128x128xf32, #tpu.memory_space<vmem>> -> memref<128x128xf32, #tpu.memory_space<vmem>>
      %dma_wait3A_685 = arith.constant 0 : i32
      %dma_wait3A_686 = tpu.memref_slice %arg4[%mul3A_4, %dma_wait3A_685] : memref<819200x128xf32, #tpu.memory_space<hbm>> -> memref<128x128xf32, #tpu.memory_space<hbm>>
      %dma_wait3A_687 = arith.constant 0 : i32
      %dma_wait3A_688 = tpu.memref_slice %arg4[%mul3A_4, %dma_wait3A_687] : memref<819200x128xf32, #tpu.memory_space<hbm>> -> memref<128x128xf32, #tpu.memory_space<hbm>>
      %dma_wait3A_689 = arith.constant 0 : i32
      %dma_wait3A_690 = arith.constant 0 : i32
      %dma_wait3A_691 = tpu.memref_slice %arg6[%dma_wait3A_680, %dma_wait3A_689, %dma_wait3A_690] : memref<5x128x128xf32, #tpu.memory_space<vmem>> -> memref<1x128x128xf32, #tpu.memory_space<vmem>>
      %dma_wait3A_692 = tpu.memref_squeeze %dma_wait3A_691 : memref<1x128x128xf32, #tpu.memory_space<vmem>> -> memref<128x128xf32, #tpu.memory_space<vmem>>
      tpu.wait_dma2 semaphore(%arg8 : memref<!tpu.dma_semaphore, #tpu.memory_space<semaphore_mem>>) src(%dma_wait3A_692 : memref<128x128xf32, #tpu.memory_space<vmem>>) dst(%dma_wait3A_688 : memref<128x128xf32, #tpu.memory_space<hbm>>)
      %add3A_693 = arith.constant 4 : i32
      %add3A_694 = arith.addi %add3A_651, %add3A_693 : i32
      %dma_start3A_695 = arith.constant 1 : i32
      %dma_start3A_696 = arith.constant 0 : i32
      %dma_start3A_697 = arith.constant 0 : i32
      %dma_start3A_698 = tpu.memref_slice %arg6[%dma_start3A_695, %dma_start3A_696, %dma_start3A_697] : memref<5x128x128xf32, #tpu.memory_space<vmem>> -> memref<1x128x128xf32, #tpu.memory_space<vmem>>
      %dma_start3A_699 = tpu.memref_squeeze %dma_start3A_698 : memref<1x128x128xf32, #tpu.memory_space<vmem>> -> memref<128x128xf32, #tpu.memory_space<vmem>>
      %dma_start3A_700 = arith.constant 0 : i32
      %dma_start3A_701 = tpu.memref_slice %arg5[%add3A_694, %dma_start3A_700] : memref<200x128xi32, #tpu.memory_space<vmem>> -> memref<1x128xi32, #tpu.memory_space<vmem>>
      %dma_start3A_702 = tpu.memref_squeeze %dma_start3A_701 : memref<1x128xi32, #tpu.memory_space<vmem>> -> memref<128xi32, #tpu.memory_space<vmem>>
      %dma_start3A_703 = arith.constant 0 : i32
      %dma_start3A_704 = arith.constant 0 : i32
      %dma_start3A_705 = tpu.memref_slice %arg3[%dma_start3A_703, %dma_start3A_704] : memref<100000x128xf32, #tpu.memory_space<hbm>> -> memref<100000x128xf32, #tpu.memory_space<hbm>>
      tpu.enqueue_indirect_dma source(%dma_start3A_705 : memref<100000x128xf32, #tpu.memory_space<hbm>>) target(%dma_start3A_699 : memref<128x128xf32, #tpu.memory_space<vmem>>) offsets(%dma_start3A_702 : memref<128xi32, #tpu.memory_space<vmem>>) semaphore(%arg7 : memref<!tpu.dma_semaphore, #tpu.memory_space<semaphore_mem>>)
      %mul3A_706 = arith.constant 5 : i32
      %mul3A_707 = arith.muli %add3A_531, %mul3A_706 : i32
      %add3A_708 = arith.constant 3 : i32
      %add3A_709 = arith.addi %mul3A_707, %add3A_708 : i32
      %dma_wait3A_710 = arith.constant 0 : i32
      %dma_wait3A_711 = arith.constant 3 : i32
      %dma_wait3A_712 = arith.constant 0 : i32
      %dma_wait3A_713 = arith.constant 0 : i32
      %dma_wait3A_714 = tpu.memref_slice %arg6[%dma_wait3A_711, %dma_wait3A_712, %dma_wait3A_713] : memref<5x128x128xf32, #tpu.memory_space<vmem>> -> memref<1x128x128xf32, #tpu.memory_space<vmem>>
      %dma_wait3A_715 = tpu.memref_squeeze %dma_wait3A_714 : memref<1x128x128xf32, #tpu.memory_space<vmem>> -> memref<128x128xf32, #tpu.memory_space<vmem>>
      %dma_wait3A_716 = arith.constant 0 : i32
      %dma_wait3A_717 = tpu.memref_slice %arg5[%dma_wait3A_710, %dma_wait3A_716] : memref<200x128xi32, #tpu.memory_space<vmem>> -> memref<1x128xi32, #tpu.memory_space<vmem>>
      %dma_wait3A_718 = tpu.memref_squeeze %dma_wait3A_717 : memref<1x128xi32, #tpu.memory_space<vmem>> -> memref<128xi32, #tpu.memory_space<vmem>>
      %dma_wait3A_719 = arith.constant 0 : i32
      %dma_wait3A_720 = arith.constant 0 : i32
      %dma_wait3A_721 = tpu.memref_slice %arg3[%dma_wait3A_719, %dma_wait3A_720] : memref<100000x128xf32, #tpu.memory_space<hbm>> -> memref<100000x128xf32, #tpu.memory_space<hbm>>
      tpu.wait_indirect_dma semaphore(%arg7 : memref<!tpu.dma_semaphore, #tpu.memory_space<semaphore_mem>>) src(%dma_wait3A_721 : memref<100000x128xf32, #tpu.memory_space<hbm>>) dst(%dma_wait3A_715 : memref<128x128xf32, #tpu.memory_space<vmem>>)
      %mul3A_722 = arith.constant 128 : i32
      %mul3A_723 = arith.muli %add3A_709, %mul3A_722 : i32
      %add3A_724 = arith.addi %mul3A_4, %mul3A_723 : i32
      %dma_start3A_725 = arith.constant 3 : i32
      %dma_start3A_726 = arith.constant 0 : i32
      %dma_start3A_727 = arith.constant 0 : i32
      %dma_start3A_728 = tpu.memref_slice %arg6[%dma_start3A_725, %dma_start3A_726, %dma_start3A_727] : memref<5x128x128xf32, #tpu.memory_space<vmem>> -> memref<1x128x128xf32, #tpu.memory_space<vmem>>
      %dma_start3A_729 = tpu.memref_squeeze %dma_start3A_728 : memref<1x128x128xf32, #tpu.memory_space<vmem>> -> memref<128x128xf32, #tpu.memory_space<vmem>>
      %dma_start3A_730 = arith.constant 0 : i32
      %dma_start3A_731 = tpu.memref_slice %arg4[%add3A_724, %dma_start3A_730] : memref<819200x128xf32, #tpu.memory_space<hbm>> -> memref<128x128xf32, #tpu.memory_space<hbm>>
      %dma_start3A_732 = arith.constant 0 : i32
      %dma_start3A_733 = tpu.memref_slice %arg4[%add3A_724, %dma_start3A_732] : memref<819200x128xf32, #tpu.memory_space<hbm>> -> memref<128x128xf32, #tpu.memory_space<hbm>>
      %dma_start3A_734 = arith.constant 0 : i32
      %dma_start3A_735 = arith.constant 0 : i32
      %dma_start3A_736 = tpu.memref_slice %arg6[%dma_start3A_725, %dma_start3A_734, %dma_start3A_735] : memref<5x128x128xf32, #tpu.memory_space<vmem>> -> memref<1x128x128xf32, #tpu.memory_space<vmem>>
      %dma_start3A_737 = tpu.memref_squeeze %dma_start3A_736 : memref<1x128x128xf32, #tpu.memory_space<vmem>> -> memref<128x128xf32, #tpu.memory_space<vmem>>
      tpu.enqueue_dma source(%dma_start3A_737 : memref<128x128xf32, #tpu.memory_space<vmem>>) target(%dma_start3A_733 : memref<128x128xf32, #tpu.memory_space<hbm>>) target_semaphore(%arg8 : memref<!tpu.dma_semaphore, #tpu.memory_space<semaphore_mem>>)
      %dma_wait3A_738 = arith.constant 2 : i32
      %dma_wait3A_739 = arith.constant 0 : i32
      %dma_wait3A_740 = arith.constant 0 : i32
      %dma_wait3A_741 = tpu.memref_slice %arg6[%dma_wait3A_738, %dma_wait3A_739, %dma_wait3A_740] : memref<5x128x128xf32, #tpu.memory_space<vmem>> -> memref<1x128x128xf32, #tpu.memory_space<vmem>>
      %dma_wait3A_742 = tpu.memref_squeeze %dma_wait3A_741 : memref<1x128x128xf32, #tpu.memory_space<vmem>> -> memref<128x128xf32, #tpu.memory_space<vmem>>
      %dma_wait3A_743 = arith.constant 0 : i32
      %dma_wait3A_744 = tpu.memref_slice %arg4[%mul3A_4, %dma_wait3A_743] : memref<819200x128xf32, #tpu.memory_space<hbm>> -> memref<128x128xf32, #tpu.memory_space<hbm>>
      %dma_wait3A_745 = arith.constant 0 : i32
      %dma_wait3A_746 = tpu.memref_slice %arg4[%mul3A_4, %dma_wait3A_745] : memref<819200x128xf32, #tpu.memory_space<hbm>> -> memref<128x128xf32, #tpu.memory_space<hbm>>
      %dma_wait3A_747 = arith.constant 0 : i32
      %dma_wait3A_748 = arith.constant 0 : i32
      %dma_wait3A_749 = tpu.memref_slice %arg6[%dma_wait3A_738, %dma_wait3A_747, %dma_wait3A_748] : memref<5x128x128xf32, #tpu.memory_space<vmem>> -> memref<1x128x128xf32, #tpu.memory_space<vmem>>
      %dma_wait3A_750 = tpu.memref_squeeze %dma_wait3A_749 : memref<1x128x128xf32, #tpu.memory_space<vmem>> -> memref<128x128xf32, #tpu.memory_space<vmem>>
      tpu.wait_dma2 semaphore(%arg8 : memref<!tpu.dma_semaphore, #tpu.memory_space<semaphore_mem>>) src(%dma_wait3A_750 : memref<128x128xf32, #tpu.memory_space<vmem>>) dst(%dma_wait3A_746 : memref<128x128xf32, #tpu.memory_space<hbm>>)
      %add3A_751 = arith.constant 4 : i32
      %add3A_752 = arith.addi %add3A_709, %add3A_751 : i32
      %dma_start3A_753 = arith.constant 2 : i32
      %dma_start3A_754 = arith.constant 0 : i32
      %dma_start3A_755 = arith.constant 0 : i32
      %dma_start3A_756 = tpu.memref_slice %arg6[%dma_start3A_753, %dma_start3A_754, %dma_start3A_755] : memref<5x128x128xf32, #tpu.memory_space<vmem>> -> memref<1x128x128xf32, #tpu.memory_space<vmem>>
      %dma_start3A_757 = tpu.memref_squeeze %dma_start3A_756 : memref<1x128x128xf32, #tpu.memory_space<vmem>> -> memref<128x128xf32, #tpu.memory_space<vmem>>
      %dma_start3A_758 = arith.constant 0 : i32
      %dma_start3A_759 = tpu.memref_slice %arg5[%add3A_752, %dma_start3A_758] : memref<200x128xi32, #tpu.memory_space<vmem>> -> memref<1x128xi32, #tpu.memory_space<vmem>>
      %dma_start3A_760 = tpu.memref_squeeze %dma_start3A_759 : memref<1x128xi32, #tpu.memory_space<vmem>> -> memref<128xi32, #tpu.memory_space<vmem>>
      %dma_start3A_761 = arith.constant 0 : i32
      %dma_start3A_762 = arith.constant 0 : i32
      %dma_start3A_763 = tpu.memref_slice %arg3[%dma_start3A_761, %dma_start3A_762] : memref<100000x128xf32, #tpu.memory_space<hbm>> -> memref<100000x128xf32, #tpu.memory_space<hbm>>
      tpu.enqueue_indirect_dma source(%dma_start3A_763 : memref<100000x128xf32, #tpu.memory_space<hbm>>) target(%dma_start3A_757 : memref<128x128xf32, #tpu.memory_space<vmem>>) offsets(%dma_start3A_760 : memref<128xi32, #tpu.memory_space<vmem>>) semaphore(%arg7 : memref<!tpu.dma_semaphore, #tpu.memory_space<semaphore_mem>>)
      %mul3A_764 = arith.constant 5 : i32
      %mul3A_765 = arith.muli %add3A_531, %mul3A_764 : i32
      %add3A_766 = arith.constant 4 : i32
      %add3A_767 = arith.addi %mul3A_765, %add3A_766 : i32
      %dma_wait3A_768 = arith.constant 0 : i32
      %dma_wait3A_769 = arith.constant 4 : i32
      %dma_wait3A_770 = arith.constant 0 : i32
      %dma_wait3A_771 = arith.constant 0 : i32
      %dma_wait3A_772 = tpu.memref_slice %arg6[%dma_wait3A_769, %dma_wait3A_770, %dma_wait3A_771] : memref<5x128x128xf32, #tpu.memory_space<vmem>> -> memref<1x128x128xf32, #tpu.memory_space<vmem>>
      %dma_wait3A_773 = tpu.memref_squeeze %dma_wait3A_772 : memref<1x128x128xf32, #tpu.memory_space<vmem>> -> memref<128x128xf32, #tpu.memory_space<vmem>>
      %dma_wait3A_774 = arith.constant 0 : i32
      %dma_wait3A_775 = tpu.memref_slice %arg5[%dma_wait3A_768, %dma_wait3A_774] : memref<200x128xi32, #tpu.memory_space<vmem>> -> memref<1x128xi32, #tpu.memory_space<vmem>>
      %dma_wait3A_776 = tpu.memref_squeeze %dma_wait3A_775 : memref<1x128xi32, #tpu.memory_space<vmem>> -> memref<128xi32, #tpu.memory_space<vmem>>
      %dma_wait3A_777 = arith.constant 0 : i32
      %dma_wait3A_778 = arith.constant 0 : i32
      %dma_wait3A_779 = tpu.memref_slice %arg3[%dma_wait3A_777, %dma_wait3A_778] : memref<100000x128xf32, #tpu.memory_space<hbm>> -> memref<100000x128xf32, #tpu.memory_space<hbm>>
      tpu.wait_indirect_dma semaphore(%arg7 : memref<!tpu.dma_semaphore, #tpu.memory_space<semaphore_mem>>) src(%dma_wait3A_779 : memref<100000x128xf32, #tpu.memory_space<hbm>>) dst(%dma_wait3A_773 : memref<128x128xf32, #tpu.memory_space<vmem>>)
      %mul3A_780 = arith.constant 128 : i32
      %mul3A_781 = arith.muli %add3A_767, %mul3A_780 : i32
      %add3A_782 = arith.addi %mul3A_4, %mul3A_781 : i32
      %dma_start3A_783 = arith.constant 4 : i32
      %dma_start3A_784 = arith.constant 0 : i32
      %dma_start3A_785 = arith.constant 0 : i32
      %dma_start3A_786 = tpu.memref_slice %arg6[%dma_start3A_783, %dma_start3A_784, %dma_start3A_785] : memref<5x128x128xf32, #tpu.memory_space<vmem>> -> memref<1x128x128xf32, #tpu.memory_space<vmem>>
      %dma_start3A_787 = tpu.memref_squeeze %dma_start3A_786 : memref<1x128x128xf32, #tpu.memory_space<vmem>> -> memref<128x128xf32, #tpu.memory_space<vmem>>
      %dma_start3A_788 = arith.constant 0 : i32
      %dma_start3A_789 = tpu.memref_slice %arg4[%add3A_782, %dma_start3A_788] : memref<819200x128xf32, #tpu.memory_space<hbm>> -> memref<128x128xf32, #tpu.memory_space<hbm>>
      %dma_start3A_790 = arith.constant 0 : i32
      %dma_start3A_791 = tpu.memref_slice %arg4[%add3A_782, %dma_start3A_790] : memref<819200x128xf32, #tpu.memory_space<hbm>> -> memref<128x128xf32, #tpu.memory_space<hbm>>
      %dma_start3A_792 = arith.constant 0 : i32
      %dma_start3A_793 = arith.constant 0 : i32
      %dma_start3A_794 = tpu.memref_slice %arg6[%dma_start3A_783, %dma_start3A_792, %dma_start3A_793] : memref<5x128x128xf32, #tpu.memory_space<vmem>> -> memref<1x128x128xf32, #tpu.memory_space<vmem>>
      %dma_start3A_795 = tpu.memref_squeeze %dma_start3A_794 : memref<1x128x128xf32, #tpu.memory_space<vmem>> -> memref<128x128xf32, #tpu.memory_space<vmem>>
      tpu.enqueue_dma source(%dma_start3A_795 : memref<128x128xf32, #tpu.memory_space<vmem>>) target(%dma_start3A_791 : memref<128x128xf32, #tpu.memory_space<hbm>>) target_semaphore(%arg8 : memref<!tpu.dma_semaphore, #tpu.memory_space<semaphore_mem>>)
      %dma_wait3A_796 = arith.constant 3 : i32
      %dma_wait3A_797 = arith.constant 0 : i32
      %dma_wait3A_798 = arith.constant 0 : i32
      %dma_wait3A_799 = tpu.memref_slice %arg6[%dma_wait3A_796, %dma_wait3A_797, %dma_wait3A_798] : memref<5x128x128xf32, #tpu.memory_space<vmem>> -> memref<1x128x128xf32, #tpu.memory_space<vmem>>
      %dma_wait3A_800 = tpu.memref_squeeze %dma_wait3A_799 : memref<1x128x128xf32, #tpu.memory_space<vmem>> -> memref<128x128xf32, #tpu.memory_space<vmem>>
      %dma_wait3A_801 = arith.constant 0 : i32
      %dma_wait3A_802 = tpu.memref_slice %arg4[%mul3A_4, %dma_wait3A_801] : memref<819200x128xf32, #tpu.memory_space<hbm>> -> memref<128x128xf32, #tpu.memory_space<hbm>>
      %dma_wait3A_803 = arith.constant 0 : i32
      %dma_wait3A_804 = tpu.memref_slice %arg4[%mul3A_4, %dma_wait3A_803] : memref<819200x128xf32, #tpu.memory_space<hbm>> -> memref<128x128xf32, #tpu.memory_space<hbm>>
      %dma_wait3A_805 = arith.constant 0 : i32
      %dma_wait3A_806 = arith.constant 0 : i32
      %dma_wait3A_807 = tpu.memref_slice %arg6[%dma_wait3A_796, %dma_wait3A_805, %dma_wait3A_806] : memref<5x128x128xf32, #tpu.memory_space<vmem>> -> memref<1x128x128xf32, #tpu.memory_space<vmem>>
      %dma_wait3A_808 = tpu.memref_squeeze %dma_wait3A_807 : memref<1x128x128xf32, #tpu.memory_space<vmem>> -> memref<128x128xf32, #tpu.memory_space<vmem>>
      tpu.wait_dma2 semaphore(%arg8 : memref<!tpu.dma_semaphore, #tpu.memory_space<semaphore_mem>>) src(%dma_wait3A_808 : memref<128x128xf32, #tpu.memory_space<vmem>>) dst(%dma_wait3A_804 : memref<128x128xf32, #tpu.memory_space<hbm>>)
      %add3A_809 = arith.constant 4 : i32
      %add3A_810 = arith.addi %add3A_767, %add3A_809 : i32
      %dma_start3A_811 = arith.constant 3 : i32
      %dma_start3A_812 = arith.constant 0 : i32
      %dma_start3A_813 = arith.constant 0 : i32
      %dma_start3A_814 = tpu.memref_slice %arg6[%dma_start3A_811, %dma_start3A_812, %dma_start3A_813] : memref<5x128x128xf32, #tpu.memory_space<vmem>> -> memref<1x128x128xf32, #tpu.memory_space<vmem>>
      %dma_start3A_815 = tpu.memref_squeeze %dma_start3A_814 : memref<1x128x128xf32, #tpu.memory_space<vmem>> -> memref<128x128xf32, #tpu.memory_space<vmem>>
      %dma_start3A_816 = arith.constant 0 : i32
      %dma_start3A_817 = tpu.memref_slice %arg5[%add3A_810, %dma_start3A_816] : memref<200x128xi32, #tpu.memory_space<vmem>> -> memref<1x128xi32, #tpu.memory_space<vmem>>
      %dma_start3A_818 = tpu.memref_squeeze %dma_start3A_817 : memref<1x128xi32, #tpu.memory_space<vmem>> -> memref<128xi32, #tpu.memory_space<vmem>>
      %dma_start3A_819 = arith.constant 0 : i32
      %dma_start3A_820 = arith.constant 0 : i32
      %dma_start3A_821 = tpu.memref_slice %arg3[%dma_start3A_819, %dma_start3A_820] : memref<100000x128xf32, #tpu.memory_space<hbm>> -> memref<100000x128xf32, #tpu.memory_space<hbm>>
      tpu.enqueue_indirect_dma source(%dma_start3A_821 : memref<100000x128xf32, #tpu.memory_space<hbm>>) target(%dma_start3A_815 : memref<128x128xf32, #tpu.memory_space<vmem>>) offsets(%dma_start3A_818 : memref<128xi32, #tpu.memory_space<vmem>>) semaphore(%arg7 : memref<!tpu.dma_semaphore, #tpu.memory_space<semaphore_mem>>)
    }
    %scan3A_301 = arith.constant 38 : i32
    %dma_wait3A_302 = arith.constant 0 : i32
    %dma_wait3A_303 = arith.constant 0 : i32
    %dma_wait3A_304 = arith.constant 0 : i32
    %dma_wait3A_305 = arith.constant 0 : i32
    %dma_wait3A_306 = tpu.memref_slice %arg6[%dma_wait3A_303, %dma_wait3A_304, %dma_wait3A_305] : memref<5x128x128xf32, #tpu.memory_space<vmem>> -> memref<1x128x128xf32, #tpu.memory_space<vmem>>
    %dma_wait3A_307 = tpu.memref_squeeze %dma_wait3A_306 : memref<1x128x128xf32, #tpu.memory_space<vmem>> -> memref<128x128xf32, #tpu.memory_space<vmem>>
    %dma_wait3A_308 = arith.constant 0 : i32
    %dma_wait3A_309 = tpu.memref_slice %arg5[%dma_wait3A_302, %dma_wait3A_308] : memref<200x128xi32, #tpu.memory_space<vmem>> -> memref<1x128xi32, #tpu.memory_space<vmem>>
    %dma_wait3A_310 = tpu.memref_squeeze %dma_wait3A_309 : memref<1x128xi32, #tpu.memory_space<vmem>> -> memref<128xi32, #tpu.memory_space<vmem>>
    %dma_wait3A_311 = arith.constant 0 : i32
    %dma_wait3A_312 = arith.constant 0 : i32
    %dma_wait3A_313 = tpu.memref_slice %arg3[%dma_wait3A_311, %dma_wait3A_312] : memref<100000x128xf32, #tpu.memory_space<hbm>> -> memref<100000x128xf32, #tpu.memory_space<hbm>>
    tpu.wait_indirect_dma semaphore(%arg7 : memref<!tpu.dma_semaphore, #tpu.memory_space<semaphore_mem>>) src(%dma_wait3A_313 : memref<100000x128xf32, #tpu.memory_space<hbm>>) dst(%dma_wait3A_307 : memref<128x128xf32, #tpu.memory_space<vmem>>)
    %add3A_314 = arith.constant 24960 : i32
    %add3A_315 = arith.addi %mul3A_4, %add3A_314 : i32
    %dma_start3A_316 = arith.constant 0 : i32
    %dma_start3A_317 = arith.constant 0 : i32
    %dma_start3A_318 = arith.constant 0 : i32
    %dma_start3A_319 = tpu.memref_slice %arg6[%dma_start3A_316, %dma_start3A_317, %dma_start3A_318] : memref<5x128x128xf32, #tpu.memory_space<vmem>> -> memref<1x128x128xf32, #tpu.memory_space<vmem>>
    %dma_start3A_320 = tpu.memref_squeeze %dma_start3A_319 : memref<1x128x128xf32, #tpu.memory_space<vmem>> -> memref<128x128xf32, #tpu.memory_space<vmem>>
    %dma_start3A_321 = arith.constant 0 : i32
    %dma_start3A_322 = tpu.memref_slice %arg4[%add3A_315, %dma_start3A_321] : memref<819200x128xf32, #tpu.memory_space<hbm>> -> memref<128x128xf32, #tpu.memory_space<hbm>>
    %dma_start3A_323 = arith.constant 0 : i32
    %dma_start3A_324 = tpu.memref_slice %arg4[%add3A_315, %dma_start3A_323] : memref<819200x128xf32, #tpu.memory_space<hbm>> -> memref<128x128xf32, #tpu.memory_space<hbm>>
    %dma_start3A_325 = arith.constant 0 : i32
    %dma_start3A_326 = arith.constant 0 : i32
    %dma_start3A_327 = tpu.memref_slice %arg6[%dma_start3A_316, %dma_start3A_325, %dma_start3A_326] : memref<5x128x128xf32, #tpu.memory_space<vmem>> -> memref<1x128x128xf32, #tpu.memory_space<vmem>>
    %dma_start3A_328 = tpu.memref_squeeze %dma_start3A_327 : memref<1x128x128xf32, #tpu.memory_space<vmem>> -> memref<128x128xf32, #tpu.memory_space<vmem>>
    tpu.enqueue_dma source(%dma_start3A_328 : memref<128x128xf32, #tpu.memory_space<vmem>>) target(%dma_start3A_324 : memref<128x128xf32, #tpu.memory_space<hbm>>) target_semaphore(%arg8 : memref<!tpu.dma_semaphore, #tpu.memory_space<semaphore_mem>>)
    %dma_wait3A_329 = arith.constant 4 : i32
    %dma_wait3A_330 = arith.constant 0 : i32
    %dma_wait3A_331 = arith.constant 0 : i32
    %dma_wait3A_332 = tpu.memref_slice %arg6[%dma_wait3A_329, %dma_wait3A_330, %dma_wait3A_331] : memref<5x128x128xf32, #tpu.memory_space<vmem>> -> memref<1x128x128xf32, #tpu.memory_space<vmem>>
    %dma_wait3A_333 = tpu.memref_squeeze %dma_wait3A_332 : memref<1x128x128xf32, #tpu.memory_space<vmem>> -> memref<128x128xf32, #tpu.memory_space<vmem>>
    %dma_wait3A_334 = arith.constant 0 : i32
    %dma_wait3A_335 = tpu.memref_slice %arg4[%mul3A_4, %dma_wait3A_334] : memref<819200x128xf32, #tpu.memory_space<hbm>> -> memref<128x128xf32, #tpu.memory_space<hbm>>
    %dma_wait3A_336 = arith.constant 0 : i32
    %dma_wait3A_337 = tpu.memref_slice %arg4[%mul3A_4, %dma_wait3A_336] : memref<819200x128xf32, #tpu.memory_space<hbm>> -> memref<128x128xf32, #tpu.memory_space<hbm>>
    %dma_wait3A_338 = arith.constant 0 : i32
    %dma_wait3A_339 = arith.constant 0 : i32
    %dma_wait3A_340 = tpu.memref_slice %arg6[%dma_wait3A_329, %dma_wait3A_338, %dma_wait3A_339] : memref<5x128x128xf32, #tpu.memory_space<vmem>> -> memref<1x128x128xf32, #tpu.memory_space<vmem>>
    %dma_wait3A_341 = tpu.memref_squeeze %dma_wait3A_340 : memref<1x128x128xf32, #tpu.memory_space<vmem>> -> memref<128x128xf32, #tpu.memory_space<vmem>>
    tpu.wait_dma2 semaphore(%arg8 : memref<!tpu.dma_semaphore, #tpu.memory_space<semaphore_mem>>) src(%dma_wait3A_341 : memref<128x128xf32, #tpu.memory_space<vmem>>) dst(%dma_wait3A_337 : memref<128x128xf32, #tpu.memory_space<hbm>>)
    %dma_start3A_342 = arith.constant 199 : i32
    %dma_start3A_343 = arith.constant 4 : i32
    %dma_start3A_344 = arith.constant 0 : i32
    %dma_start3A_345 = arith.constant 0 : i32
    %dma_start3A_346 = tpu.memref_slice %arg6[%dma_start3A_343, %dma_start3A_344, %dma_start3A_345] : memref<5x128x128xf32, #tpu.memory_space<vmem>> -> memref<1x128x128xf32, #tpu.memory_space<vmem>>
    %dma_start3A_347 = tpu.memref_squeeze %dma_start3A_346 : memref<1x128x128xf32, #tpu.memory_space<vmem>> -> memref<128x128xf32, #tpu.memory_space<vmem>>
    %dma_start3A_348 = arith.constant 0 : i32
    %dma_start3A_349 = tpu.memref_slice %arg5[%dma_start3A_342, %dma_start3A_348] : memref<200x128xi32, #tpu.memory_space<vmem>> -> memref<1x128xi32, #tpu.memory_space<vmem>>
    %dma_start3A_350 = tpu.memref_squeeze %dma_start3A_349 : memref<1x128xi32, #tpu.memory_space<vmem>> -> memref<128xi32, #tpu.memory_space<vmem>>
    %dma_start3A_351 = arith.constant 0 : i32
    %dma_start3A_352 = arith.constant 0 : i32
    %dma_start3A_353 = tpu.memref_slice %arg3[%dma_start3A_351, %dma_start3A_352] : memref<100000x128xf32, #tpu.memory_space<hbm>> -> memref<100000x128xf32, #tpu.memory_space<hbm>>
    tpu.enqueue_indirect_dma source(%dma_start3A_353 : memref<100000x128xf32, #tpu.memory_space<hbm>>) target(%dma_start3A_347 : memref<128x128xf32, #tpu.memory_space<vmem>>) offsets(%dma_start3A_350 : memref<128xi32, #tpu.memory_space<vmem>>) semaphore(%arg7 : memref<!tpu.dma_semaphore, #tpu.memory_space<semaphore_mem>>)
    %dma_wait3A_354 = arith.constant 0 : i32
    %dma_wait3A_355 = arith.constant 1 : i32
    %dma_wait3A_356 = arith.constant 0 : i32
    %dma_wait3A_357 = arith.constant 0 : i32
    %dma_wait3A_358 = tpu.memref_slice %arg6[%dma_wait3A_355, %dma_wait3A_356, %dma_wait3A_357] : memref<5x128x128xf32, #tpu.memory_space<vmem>> -> memref<1x128x128xf32, #tpu.memory_space<vmem>>
    %dma_wait3A_359 = tpu.memref_squeeze %dma_wait3A_358 : memref<1x128x128xf32, #tpu.memory_space<vmem>> -> memref<128x128xf32, #tpu.memory_space<vmem>>
    %dma_wait3A_360 = arith.constant 0 : i32
    %dma_wait3A_361 = tpu.memref_slice %arg5[%dma_wait3A_354, %dma_wait3A_360] : memref<200x128xi32, #tpu.memory_space<vmem>> -> memref<1x128xi32, #tpu.memory_space<vmem>>
    %dma_wait3A_362 = tpu.memref_squeeze %dma_wait3A_361 : memref<1x128xi32, #tpu.memory_space<vmem>> -> memref<128xi32, #tpu.memory_space<vmem>>
    %dma_wait3A_363 = arith.constant 0 : i32
    %dma_wait3A_364 = arith.constant 0 : i32
    %dma_wait3A_365 = tpu.memref_slice %arg3[%dma_wait3A_363, %dma_wait3A_364] : memref<100000x128xf32, #tpu.memory_space<hbm>> -> memref<100000x128xf32, #tpu.memory_space<hbm>>
    tpu.wait_indirect_dma semaphore(%arg7 : memref<!tpu.dma_semaphore, #tpu.memory_space<semaphore_mem>>) src(%dma_wait3A_365 : memref<100000x128xf32, #tpu.memory_space<hbm>>) dst(%dma_wait3A_359 : memref<128x128xf32, #tpu.memory_space<vmem>>)
    %add3A_366 = arith.constant 25088 : i32
    %add3A_367 = arith.addi %mul3A_4, %add3A_366 : i32
    %dma_start3A_368 = arith.constant 1 : i32
    %dma_start3A_369 = arith.constant 0 : i32
    %dma_start3A_370 = arith.constant 0 : i32
    %dma_start3A_371 = tpu.memref_slice %arg6[%dma_start3A_368, %dma_start3A_369, %dma_start3A_370] : memref<5x128x128xf32, #tpu.memory_space<vmem>> -> memref<1x128x128xf32, #tpu.memory_space<vmem>>
    %dma_start3A_372 = tpu.memref_squeeze %dma_start3A_371 : memref<1x128x128xf32, #tpu.memory_space<vmem>> -> memref<128x128xf32, #tpu.memory_space<vmem>>
    %dma_start3A_373 = arith.constant 0 : i32
    %dma_start3A_374 = tpu.memref_slice %arg4[%add3A_367, %dma_start3A_373] : memref<819200x128xf32, #tpu.memory_space<hbm>> -> memref<128x128xf32, #tpu.memory_space<hbm>>
    %dma_start3A_375 = arith.constant 0 : i32
    %dma_start3A_376 = tpu.memref_slice %arg4[%add3A_367, %dma_start3A_375] : memref<819200x128xf32, #tpu.memory_space<hbm>> -> memref<128x128xf32, #tpu.memory_space<hbm>>
    %dma_start3A_377 = arith.constant 0 : i32
    %dma_start3A_378 = arith.constant 0 : i32
    %dma_start3A_379 = tpu.memref_slice %arg6[%dma_start3A_368, %dma_start3A_377, %dma_start3A_378] : memref<5x128x128xf32, #tpu.memory_space<vmem>> -> memref<1x128x128xf32, #tpu.memory_space<vmem>>
    %dma_start3A_380 = tpu.memref_squeeze %dma_start3A_379 : memref<1x128x128xf32, #tpu.memory_space<vmem>> -> memref<128x128xf32, #tpu.memory_space<vmem>>
    tpu.enqueue_dma source(%dma_start3A_380 : memref<128x128xf32, #tpu.memory_space<vmem>>) target(%dma_start3A_376 : memref<128x128xf32, #tpu.memory_space<hbm>>) target_semaphore(%arg8 : memref<!tpu.dma_semaphore, #tpu.memory_space<semaphore_mem>>)
    %dma_wait3A_381 = arith.constant 0 : i32
    %dma_wait3A_382 = arith.constant 0 : i32
    %dma_wait3A_383 = arith.constant 0 : i32
    %dma_wait3A_384 = tpu.memref_slice %arg6[%dma_wait3A_381, %dma_wait3A_382, %dma_wait3A_383] : memref<5x128x128xf32, #tpu.memory_space<vmem>> -> memref<1x128x128xf32, #tpu.memory_space<vmem>>
    %dma_wait3A_385 = tpu.memref_squeeze %dma_wait3A_384 : memref<1x128x128xf32, #tpu.memory_space<vmem>> -> memref<128x128xf32, #tpu.memory_space<vmem>>
    %dma_wait3A_386 = arith.constant 0 : i32
    %dma_wait3A_387 = tpu.memref_slice %arg4[%mul3A_4, %dma_wait3A_386] : memref<819200x128xf32, #tpu.memory_space<hbm>> -> memref<128x128xf32, #tpu.memory_space<hbm>>
    %dma_wait3A_388 = arith.constant 0 : i32
    %dma_wait3A_389 = tpu.memref_slice %arg4[%mul3A_4, %dma_wait3A_388] : memref<819200x128xf32, #tpu.memory_space<hbm>> -> memref<128x128xf32, #tpu.memory_space<hbm>>
    %dma_wait3A_390 = arith.constant 0 : i32
    %dma_wait3A_391 = arith.constant 0 : i32
    %dma_wait3A_392 = tpu.memref_slice %arg6[%dma_wait3A_381, %dma_wait3A_390, %dma_wait3A_391] : memref<5x128x128xf32, #tpu.memory_space<vmem>> -> memref<1x128x128xf32, #tpu.memory_space<vmem>>
    %dma_wait3A_393 = tpu.memref_squeeze %dma_wait3A_392 : memref<1x128x128xf32, #tpu.memory_space<vmem>> -> memref<128x128xf32, #tpu.memory_space<vmem>>
    tpu.wait_dma2 semaphore(%arg8 : memref<!tpu.dma_semaphore, #tpu.memory_space<semaphore_mem>>) src(%dma_wait3A_393 : memref<128x128xf32, #tpu.memory_space<vmem>>) dst(%dma_wait3A_389 : memref<128x128xf32, #tpu.memory_space<hbm>>)
    %dma_wait3A_394 = arith.constant 0 : i32
    %dma_wait3A_395 = arith.constant 2 : i32
    %dma_wait3A_396 = arith.constant 0 : i32
    %dma_wait3A_397 = arith.constant 0 : i32
    %dma_wait3A_398 = tpu.memref_slice %arg6[%dma_wait3A_395, %dma_wait3A_396, %dma_wait3A_397] : memref<5x128x128xf32, #tpu.memory_space<vmem>> -> memref<1x128x128xf32, #tpu.memory_space<vmem>>
    %dma_wait3A_399 = tpu.memref_squeeze %dma_wait3A_398 : memref<1x128x128xf32, #tpu.memory_space<vmem>> -> memref<128x128xf32, #tpu.memory_space<vmem>>
    %dma_wait3A_400 = arith.constant 0 : i32
    %dma_wait3A_401 = tpu.memref_slice %arg5[%dma_wait3A_394, %dma_wait3A_400] : memref<200x128xi32, #tpu.memory_space<vmem>> -> memref<1x128xi32, #tpu.memory_space<vmem>>
    %dma_wait3A_402 = tpu.memref_squeeze %dma_wait3A_401 : memref<1x128xi32, #tpu.memory_space<vmem>> -> memref<128xi32, #tpu.memory_space<vmem>>
    %dma_wait3A_403 = arith.constant 0 : i32
    %dma_wait3A_404 = arith.constant 0 : i32
    %dma_wait3A_405 = tpu.memref_slice %arg3[%dma_wait3A_403, %dma_wait3A_404] : memref<100000x128xf32, #tpu.memory_space<hbm>> -> memref<100000x128xf32, #tpu.memory_space<hbm>>
    tpu.wait_indirect_dma semaphore(%arg7 : memref<!tpu.dma_semaphore, #tpu.memory_space<semaphore_mem>>) src(%dma_wait3A_405 : memref<100000x128xf32, #tpu.memory_space<hbm>>) dst(%dma_wait3A_399 : memref<128x128xf32, #tpu.memory_space<vmem>>)
    %add3A_406 = arith.constant 25216 : i32
    %add3A_407 = arith.addi %mul3A_4, %add3A_406 : i32
    %dma_start3A_408 = arith.constant 2 : i32
    %dma_start3A_409 = arith.constant 0 : i32
    %dma_start3A_410 = arith.constant 0 : i32
    %dma_start3A_411 = tpu.memref_slice %arg6[%dma_start3A_408, %dma_start3A_409, %dma_start3A_410] : memref<5x128x128xf32, #tpu.memory_space<vmem>> -> memref<1x128x128xf32, #tpu.memory_space<vmem>>
    %dma_start3A_412 = tpu.memref_squeeze %dma_start3A_411 : memref<1x128x128xf32, #tpu.memory_space<vmem>> -> memref<128x128xf32, #tpu.memory_space<vmem>>
    %dma_start3A_413 = arith.constant 0 : i32
    %dma_start3A_414 = tpu.memref_slice %arg4[%add3A_407, %dma_start3A_413] : memref<819200x128xf32, #tpu.memory_space<hbm>> -> memref<128x128xf32, #tpu.memory_space<hbm>>
    %dma_start3A_415 = arith.constant 0 : i32
    %dma_start3A_416 = tpu.memref_slice %arg4[%add3A_407, %dma_start3A_415] : memref<819200x128xf32, #tpu.memory_space<hbm>> -> memref<128x128xf32, #tpu.memory_space<hbm>>
    %dma_start3A_417 = arith.constant 0 : i32
    %dma_start3A_418 = arith.constant 0 : i32
    %dma_start3A_419 = tpu.memref_slice %arg6[%dma_start3A_408, %dma_start3A_417, %dma_start3A_418] : memref<5x128x128xf32, #tpu.memory_space<vmem>> -> memref<1x128x128xf32, #tpu.memory_space<vmem>>
    %dma_start3A_420 = tpu.memref_squeeze %dma_start3A_419 : memref<1x128x128xf32, #tpu.memory_space<vmem>> -> memref<128x128xf32, #tpu.memory_space<vmem>>
    tpu.enqueue_dma source(%dma_start3A_420 : memref<128x128xf32, #tpu.memory_space<vmem>>) target(%dma_start3A_416 : memref<128x128xf32, #tpu.memory_space<hbm>>) target_semaphore(%arg8 : memref<!tpu.dma_semaphore, #tpu.memory_space<semaphore_mem>>)
    %dma_wait3A_421 = arith.constant 1 : i32
    %dma_wait3A_422 = arith.constant 0 : i32
    %dma_wait3A_423 = arith.constant 0 : i32
    %dma_wait3A_424 = tpu.memref_slice %arg6[%dma_wait3A_421, %dma_wait3A_422, %dma_wait3A_423] : memref<5x128x128xf32, #tpu.memory_space<vmem>> -> memref<1x128x128xf32, #tpu.memory_space<vmem>>
    %dma_wait3A_425 = tpu.memref_squeeze %dma_wait3A_424 : memref<1x128x128xf32, #tpu.memory_space<vmem>> -> memref<128x128xf32, #tpu.memory_space<vmem>>
    %dma_wait3A_426 = arith.constant 0 : i32
    %dma_wait3A_427 = tpu.memref_slice %arg4[%mul3A_4, %dma_wait3A_426] : memref<819200x128xf32, #tpu.memory_space<hbm>> -> memref<128x128xf32, #tpu.memory_space<hbm>>
    %dma_wait3A_428 = arith.constant 0 : i32
    %dma_wait3A_429 = tpu.memref_slice %arg4[%mul3A_4, %dma_wait3A_428] : memref<819200x128xf32, #tpu.memory_space<hbm>> -> memref<128x128xf32, #tpu.memory_space<hbm>>
    %dma_wait3A_430 = arith.constant 0 : i32
    %dma_wait3A_431 = arith.constant 0 : i32
    %dma_wait3A_432 = tpu.memref_slice %arg6[%dma_wait3A_421, %dma_wait3A_430, %dma_wait3A_431] : memref<5x128x128xf32, #tpu.memory_space<vmem>> -> memref<1x128x128xf32, #tpu.memory_space<vmem>>
    %dma_wait3A_433 = tpu.memref_squeeze %dma_wait3A_432 : memref<1x128x128xf32, #tpu.memory_space<vmem>> -> memref<128x128xf32, #tpu.memory_space<vmem>>
    tpu.wait_dma2 semaphore(%arg8 : memref<!tpu.dma_semaphore, #tpu.memory_space<semaphore_mem>>) src(%dma_wait3A_433 : memref<128x128xf32, #tpu.memory_space<vmem>>) dst(%dma_wait3A_429 : memref<128x128xf32, #tpu.memory_space<hbm>>)
    %dma_wait3A_434 = arith.constant 0 : i32
    %dma_wait3A_435 = arith.constant 3 : i32
    %dma_wait3A_436 = arith.constant 0 : i32
    %dma_wait3A_437 = arith.constant 0 : i32
    %dma_wait3A_438 = tpu.memref_slice %arg6[%dma_wait3A_435, %dma_wait3A_436, %dma_wait3A_437] : memref<5x128x128xf32, #tpu.memory_space<vmem>> -> memref<1x128x128xf32, #tpu.memory_space<vmem>>
    %dma_wait3A_439 = tpu.memref_squeeze %dma_wait3A_438 : memref<1x128x128xf32, #tpu.memory_space<vmem>> -> memref<128x128xf32, #tpu.memory_space<vmem>>
    %dma_wait3A_440 = arith.constant 0 : i32
    %dma_wait3A_441 = tpu.memref_slice %arg5[%dma_wait3A_434, %dma_wait3A_440] : memref<200x128xi32, #tpu.memory_space<vmem>> -> memref<1x128xi32, #tpu.memory_space<vmem>>
    %dma_wait3A_442 = tpu.memref_squeeze %dma_wait3A_441 : memref<1x128xi32, #tpu.memory_space<vmem>> -> memref<128xi32, #tpu.memory_space<vmem>>
    %dma_wait3A_443 = arith.constant 0 : i32
    %dma_wait3A_444 = arith.constant 0 : i32
    %dma_wait3A_445 = tpu.memref_slice %arg3[%dma_wait3A_443, %dma_wait3A_444] : memref<100000x128xf32, #tpu.memory_space<hbm>> -> memref<100000x128xf32, #tpu.memory_space<hbm>>
    tpu.wait_indirect_dma semaphore(%arg7 : memref<!tpu.dma_semaphore, #tpu.memory_space<semaphore_mem>>) src(%dma_wait3A_445 : memref<100000x128xf32, #tpu.memory_space<hbm>>) dst(%dma_wait3A_439 : memref<128x128xf32, #tpu.memory_space<vmem>>)
    %add3A_446 = arith.constant 25344 : i32
    %add3A_447 = arith.addi %mul3A_4, %add3A_446 : i32
    %dma_start3A_448 = arith.constant 3 : i32
    %dma_start3A_449 = arith.constant 0 : i32
    %dma_start3A_450 = arith.constant 0 : i32
    %dma_start3A_451 = tpu.memref_slice %arg6[%dma_start3A_448, %dma_start3A_449, %dma_start3A_450] : memref<5x128x128xf32, #tpu.memory_space<vmem>> -> memref<1x128x128xf32, #tpu.memory_space<vmem>>
    %dma_start3A_452 = tpu.memref_squeeze %dma_start3A_451 : memref<1x128x128xf32, #tpu.memory_space<vmem>> -> memref<128x128xf32, #tpu.memory_space<vmem>>
    %dma_start3A_453 = arith.constant 0 : i32
    %dma_start3A_454 = tpu.memref_slice %arg4[%add3A_447, %dma_start3A_453] : memref<819200x128xf32, #tpu.memory_space<hbm>> -> memref<128x128xf32, #tpu.memory_space<hbm>>
    %dma_start3A_455 = arith.constant 0 : i32
    %dma_start3A_456 = tpu.memref_slice %arg4[%add3A_447, %dma_start3A_455] : memref<819200x128xf32, #tpu.memory_space<hbm>> -> memref<128x128xf32, #tpu.memory_space<hbm>>
    %dma_start3A_457 = arith.constant 0 : i32
    %dma_start3A_458 = arith.constant 0 : i32
    %dma_start3A_459 = tpu.memref_slice %arg6[%dma_start3A_448, %dma_start3A_457, %dma_start3A_458] : memref<5x128x128xf32, #tpu.memory_space<vmem>> -> memref<1x128x128xf32, #tpu.memory_space<vmem>>
    %dma_start3A_460 = tpu.memref_squeeze %dma_start3A_459 : memref<1x128x128xf32, #tpu.memory_space<vmem>> -> memref<128x128xf32, #tpu.memory_space<vmem>>
    tpu.enqueue_dma source(%dma_start3A_460 : memref<128x128xf32, #tpu.memory_space<vmem>>) target(%dma_start3A_456 : memref<128x128xf32, #tpu.memory_space<hbm>>) target_semaphore(%arg8 : memref<!tpu.dma_semaphore, #tpu.memory_space<semaphore_mem>>)
    %dma_wait3A_461 = arith.constant 2 : i32
    %dma_wait3A_462 = arith.constant 0 : i32
    %dma_wait3A_463 = arith.constant 0 : i32
    %dma_wait3A_464 = tpu.memref_slice %arg6[%dma_wait3A_461, %dma_wait3A_462, %dma_wait3A_463] : memref<5x128x128xf32, #tpu.memory_space<vmem>> -> memref<1x128x128xf32, #tpu.memory_space<vmem>>
    %dma_wait3A_465 = tpu.memref_squeeze %dma_wait3A_464 : memref<1x128x128xf32, #tpu.memory_space<vmem>> -> memref<128x128xf32, #tpu.memory_space<vmem>>
    %dma_wait3A_466 = arith.constant 0 : i32
    %dma_wait3A_467 = tpu.memref_slice %arg4[%mul3A_4, %dma_wait3A_466] : memref<819200x128xf32, #tpu.memory_space<hbm>> -> memref<128x128xf32, #tpu.memory_space<hbm>>
    %dma_wait3A_468 = arith.constant 0 : i32
    %dma_wait3A_469 = tpu.memref_slice %arg4[%mul3A_4, %dma_wait3A_468] : memref<819200x128xf32, #tpu.memory_space<hbm>> -> memref<128x128xf32, #tpu.memory_space<hbm>>
    %dma_wait3A_470 = arith.constant 0 : i32
    %dma_wait3A_471 = arith.constant 0 : i32
    %dma_wait3A_472 = tpu.memref_slice %arg6[%dma_wait3A_461, %dma_wait3A_470, %dma_wait3A_471] : memref<5x128x128xf32, #tpu.memory_space<vmem>> -> memref<1x128x128xf32, #tpu.memory_space<vmem>>
    %dma_wait3A_473 = tpu.memref_squeeze %dma_wait3A_472 : memref<1x128x128xf32, #tpu.memory_space<vmem>> -> memref<128x128xf32, #tpu.memory_space<vmem>>
    tpu.wait_dma2 semaphore(%arg8 : memref<!tpu.dma_semaphore, #tpu.memory_space<semaphore_mem>>) src(%dma_wait3A_473 : memref<128x128xf32, #tpu.memory_space<vmem>>) dst(%dma_wait3A_469 : memref<128x128xf32, #tpu.memory_space<hbm>>)
    %dma_wait3A_474 = arith.constant 0 : i32
    %dma_wait3A_475 = arith.constant 4 : i32
    %dma_wait3A_476 = arith.constant 0 : i32
    %dma_wait3A_477 = arith.constant 0 : i32
    %dma_wait3A_478 = tpu.memref_slice %arg6[%dma_wait3A_475, %dma_wait3A_476, %dma_wait3A_477] : memref<5x128x128xf32, #tpu.memory_space<vmem>> -> memref<1x128x128xf32, #tpu.memory_space<vmem>>
    %dma_wait3A_479 = tpu.memref_squeeze %dma_wait3A_478 : memref<1x128x128xf32, #tpu.memory_space<vmem>> -> memref<128x128xf32, #tpu.memory_space<vmem>>
    %dma_wait3A_480 = arith.constant 0 : i32
    %dma_wait3A_481 = tpu.memref_slice %arg5[%dma_wait3A_474, %dma_wait3A_480] : memref<200x128xi32, #tpu.memory_space<vmem>> -> memref<1x128xi32, #tpu.memory_space<vmem>>
    %dma_wait3A_482 = tpu.memref_squeeze %dma_wait3A_481 : memref<1x128xi32, #tpu.memory_space<vmem>> -> memref<128xi32, #tpu.memory_space<vmem>>
    %dma_wait3A_483 = arith.constant 0 : i32
    %dma_wait3A_484 = arith.constant 0 : i32
    %dma_wait3A_485 = tpu.memref_slice %arg3[%dma_wait3A_483, %dma_wait3A_484] : memref<100000x128xf32, #tpu.memory_space<hbm>> -> memref<100000x128xf32, #tpu.memory_space<hbm>>
    tpu.wait_indirect_dma semaphore(%arg7 : memref<!tpu.dma_semaphore, #tpu.memory_space<semaphore_mem>>) src(%dma_wait3A_485 : memref<100000x128xf32, #tpu.memory_space<hbm>>) dst(%dma_wait3A_479 : memref<128x128xf32, #tpu.memory_space<vmem>>)
    %add3A_486 = arith.constant 25472 : i32
    %add3A_487 = arith.addi %mul3A_4, %add3A_486 : i32
    %dma_start3A_488 = arith.constant 4 : i32
    %dma_start3A_489 = arith.constant 0 : i32
    %dma_start3A_490 = arith.constant 0 : i32
    %dma_start3A_491 = tpu.memref_slice %arg6[%dma_start3A_488, %dma_start3A_489, %dma_start3A_490] : memref<5x128x128xf32, #tpu.memory_space<vmem>> -> memref<1x128x128xf32, #tpu.memory_space<vmem>>
    %dma_start3A_492 = tpu.memref_squeeze %dma_start3A_491 : memref<1x128x128xf32, #tpu.memory_space<vmem>> -> memref<128x128xf32, #tpu.memory_space<vmem>>
    %dma_start3A_493 = arith.constant 0 : i32
    %dma_start3A_494 = tpu.memref_slice %arg4[%add3A_487, %dma_start3A_493] : memref<819200x128xf32, #tpu.memory_space<hbm>> -> memref<128x128xf32, #tpu.memory_space<hbm>>
    %dma_start3A_495 = arith.constant 0 : i32
    %dma_start3A_496 = tpu.memref_slice %arg4[%add3A_487, %dma_start3A_495] : memref<819200x128xf32, #tpu.memory_space<hbm>> -> memref<128x128xf32, #tpu.memory_space<hbm>>
    %dma_start3A_497 = arith.constant 0 : i32
    %dma_start3A_498 = arith.constant 0 : i32
    %dma_start3A_499 = tpu.memref_slice %arg6[%dma_start3A_488, %dma_start3A_497, %dma_start3A_498] : memref<5x128x128xf32, #tpu.memory_space<vmem>> -> memref<1x128x128xf32, #tpu.memory_space<vmem>>
    %dma_start3A_500 = tpu.memref_squeeze %dma_start3A_499 : memref<1x128x128xf32, #tpu.memory_space<vmem>> -> memref<128x128xf32, #tpu.memory_space<vmem>>
    tpu.enqueue_dma source(%dma_start3A_500 : memref<128x128xf32, #tpu.memory_space<vmem>>) target(%dma_start3A_496 : memref<128x128xf32, #tpu.memory_space<hbm>>) target_semaphore(%arg8 : memref<!tpu.dma_semaphore, #tpu.memory_space<semaphore_mem>>)
    %dma_wait3A_501 = arith.constant 3 : i32
    %dma_wait3A_502 = arith.constant 0 : i32
    %dma_wait3A_503 = arith.constant 0 : i32
    %dma_wait3A_504 = tpu.memref_slice %arg6[%dma_wait3A_501, %dma_wait3A_502, %dma_wait3A_503] : memref<5x128x128xf32, #tpu.memory_space<vmem>> -> memref<1x128x128xf32, #tpu.memory_space<vmem>>
    %dma_wait3A_505 = tpu.memref_squeeze %dma_wait3A_504 : memref<1x128x128xf32, #tpu.memory_space<vmem>> -> memref<128x128xf32, #tpu.memory_space<vmem>>
    %dma_wait3A_506 = arith.constant 0 : i32
    %dma_wait3A_507 = tpu.memref_slice %arg4[%mul3A_4, %dma_wait3A_506] : memref<819200x128xf32, #tpu.memory_space<hbm>> -> memref<128x128xf32, #tpu.memory_space<hbm>>
    %dma_wait3A_508 = arith.constant 0 : i32
    %dma_wait3A_509 = tpu.memref_slice %arg4[%mul3A_4, %dma_wait3A_508] : memref<819200x128xf32, #tpu.memory_space<hbm>> -> memref<128x128xf32, #tpu.memory_space<hbm>>
    %dma_wait3A_510 = arith.constant 0 : i32
    %dma_wait3A_511 = arith.constant 0 : i32
    %dma_wait3A_512 = tpu.memref_slice %arg6[%dma_wait3A_501, %dma_wait3A_510, %dma_wait3A_511] : memref<5x128x128xf32, #tpu.memory_space<vmem>> -> memref<1x128x128xf32, #tpu.memory_space<vmem>>
    %dma_wait3A_513 = tpu.memref_squeeze %dma_wait3A_512 : memref<1x128x128xf32, #tpu.memory_space<vmem>> -> memref<128x128xf32, #tpu.memory_space<vmem>>
    tpu.wait_dma2 semaphore(%arg8 : memref<!tpu.dma_semaphore, #tpu.memory_space<semaphore_mem>>) src(%dma_wait3A_513 : memref<128x128xf32, #tpu.memory_space<vmem>>) dst(%dma_wait3A_509 : memref<128x128xf32, #tpu.memory_space<hbm>>)
    %dma_wait3A_514 = arith.constant 4 : i32
    %dma_wait3A_515 = arith.constant 0 : i32
    %dma_wait3A_516 = arith.constant 0 : i32
    %dma_wait3A_517 = tpu.memref_slice %arg6[%dma_wait3A_514, %dma_wait3A_515, %dma_wait3A_516] : memref<5x128x128xf32, #tpu.memory_space<vmem>> -> memref<1x128x128xf32, #tpu.memory_space<vmem>>
    %dma_wait3A_518 = tpu.memref_squeeze %dma_wait3A_517 : memref<1x128x128xf32, #tpu.memory_space<vmem>> -> memref<128x128xf32, #tpu.memory_space<vmem>>
    %dma_wait3A_519 = arith.constant 0 : i32
    %dma_wait3A_520 = tpu.memref_slice %arg4[%mul3A_4, %dma_wait3A_519] : memref<819200x128xf32, #tpu.memory_space<hbm>> -> memref<128x128xf32, #tpu.memory_space<hbm>>
    %dma_wait3A_521 = arith.constant 0 : i32
    %dma_wait3A_522 = tpu.memref_slice %arg4[%mul3A_4, %dma_wait3A_521] : memref<819200x128xf32, #tpu.memory_space<hbm>> -> memref<128x128xf32, #tpu.memory_space<hbm>>
    %dma_wait3A_523 = arith.constant 0 : i32
    %dma_wait3A_524 = arith.constant 0 : i32
    %dma_wait3A_525 = tpu.memref_slice %arg6[%dma_wait3A_514, %dma_wait3A_523, %dma_wait3A_524] : memref<5x128x128xf32, #tpu.memory_space<vmem>> -> memref<1x128x128xf32, #tpu.memory_space<vmem>>
    %dma_wait3A_526 = tpu.memref_squeeze %dma_wait3A_525 : memref<1x128x128xf32, #tpu.memory_space<vmem>> -> memref<128x128xf32, #tpu.memory_space<vmem>>
    tpu.wait_dma2 semaphore(%arg8 : memref<!tpu.dma_semaphore, #tpu.memory_space<semaphore_mem>>) src(%dma_wait3A_526 : memref<128x128xf32, #tpu.memory_space<vmem>>) dst(%dma_wait3A_522 : memref<128x128xf32, #tpu.memory_space<hbm>>)
    return
  }
}

</mosaic_0001>

<sc_bundles>
// kernel: _gather.3.cloned.1.call-start
scs
__scs_entry_jumppad:
0x0: {  	(pc) =	sbr.rel $0x88, $3  }
0x1: {  	(tag) =	ssettag $0x0;
	lr =	simm.s32 $0x1  }
0x2: {  	[smem:$0x3F9F] =	sst lr;
	_ =	strace $0xD0000000  }
0x3: {  	_ = 	snop  }
0x4: {  	_ = 	snop  }
0x5: {  	_ = 	snop  }
0x6: {  	_ = 	snop  }
0x7: {  	_ = 	snop  }
__scs_overlays_trampoline_lowered:
0x8: {  	[smem:$0x3FAE] =	sst s0  }
0x9: {  	[smem:$0x3FAF] =	sst s1  }
0xa: {  	[smem:$0x3FB0] =	sst s2  }
0xb: {  	[smem:$0x3FB1] =	sst s3  }
0xc: {  	[smem:$0x3FB2] =	sst s4  }
0xd: {  	[smem:$0x3FB3] =	sst s5  }
0xe: {  	[smem:$0x3FB4] =	sst s6  }
0xf: {  	[smem:$0x3FB5] =	sst s7  }
0x10: {  	[smem:$0x3FB6] =	sst s8  }
0x11: {  	[smem:$0x3FB7] =	sst s9;
	s0 =	simm.s32 @!p0 $0x0  }
0x12: {  	s1 =	sld [smem:$0x3F9D];
	s0 =	simm.s32 @p0 $0x1  }
0x13: {  	[smem:$0x3FB8] =	sst s0;
	s0 =	simm.s32 @!p1 $0x0  }
0x14: {  	s2 =	sld [smem:$0x3F9C];
	s0 =	simm.s32 @p1 $0x1  }
0x15: {  	[smem:$0x3FB9] =	sst s0;
	s0 =	simm.s32 @!p2 $0x0  }
0x16: {  	s3 =	sld [smem:$0x3FDB];
	s0 =	simm.s32 @p2 $0x1  }
0x17: {  	s4 =	simm.s32 $0x1BF5;
	[smem:$0x3FBB] =	sst s0  }
0x18: {  	s0 =	sld [smem:$0x3F9E];
	_ =	swait.ge [sflag:s4], $0x0  }
0x19: {  	s7 =	sld [smem:$0x3F9F]  }
0x1a: {  	s8 =	sadd.s32 $0xFFFFE003, lr  }
0x1b: {  	s9 =	sadd.s32 $0xFFFFFEF7, lr;
	s5 =	simm.s32 $0xFFFFFFFF;
	p2 =	slt.u32 s8, $0xFFFFF086  }
0x1c: {  	p1 =	slt.u32 s9, $0xF7A;
	s5 =	simm.s32 @!p2 $0x0  }
0x1d: {  	s5 =	simm.s32 @p1 $0x1;
	p0 =	seq.s32 s7, s2  }
0x1e: {  	s7 =	smul.u32 @!p0 $0xF7A, s2;
	p2 =	seq.s32 @!p0 s5, $0x0  }
0x1f: {  	s9 =	smul.u32 $0xF7A, s1;
	s8 =	simm.s32 @!p0 $0x1BF5;
	p2 =	por !p2, p0  }
0x20: {  	[sflag:s8] =	ssyncset.s32 @!p0 $0xFFFFF086;
	s6 =	sadd.s32 @!p0 s3, s7;
	s7 =	simm.s32 @!p0 $0x108  }
0x21: {  	s3 =	sadd.s32 s3, s9;
	s6 =	sadd.s32 @!p0 $0x88, s6;
	s7 =	simm.s32 @p2 $0x1082  }
0x22: {  	[simem:s7], [sflag:s8] =	dma.local @!p0 [hbm:s6], $0xF7A  }
0x23: {  	s9 =	sor.u32 $0xD0000000, s2;
	s6 =	simm.s32 $0x108;
	_ =	swait.ge @!p0 [sflag:s8], $0x0  }
0x24: {  	s3 =	sadd.s32 $0x88, s3;
	s6 =	simm.s32 @!p1 $0x1082;
	[sflag:s4] =	ssyncset.s32 $0xFFFFF086  }
0x25: {  	[simem:s6], [sflag:s4] =	dma.local [hbm:s3], $0xF7A  }
0x26: {  	[smem:$0x3F9F] =	sst s1;
	(tag) =	ssettag s2;
	_ =	strace s9  }
0x27: {  	s1 =	sld [smem:$0x3FAF]  }
0x28: {  	s2 =	sld [smem:$0x3FB0]  }
0x29: {  	s4 =	sld [smem:$0x3FB2]  }
0x2a: {  	p0 =	seq.s32 s5, $0x0;
	s5 =	sld [smem:$0x3FB3]  }
0x2b: {  	s6 =	sld [smem:$0x3FB4]  }
0x2c: {  	s7 =	sld [smem:$0x3FB5]  }
0x2d: {  	s3 =	simm.s32 $0x108;
	s8 =	sld [smem:$0x3FB6]  }
0x2e: {  	s3 =	simm.s32 @!p0 $0x1082;
	s9 =	sld [smem:$0x3FB7]  }
0x2f: {  	lr =	sadd.s32 s0, s3;
	s0 =	sld [smem:$0x3FAE]  }
0x30: {  	s3 =	sld [smem:$0x3FB1]  }
0x31: {  	[smem:$0x3FBA] =	sst s10  }
0x32: {  	s10 =	sld [smem:$0x3FB8];
	_ =	sdelay $0x3  }
0x33: {  	p0 =	seq.s32 s10, $0x1;
	s10 =	sld [smem:$0x3FBA];
	_ =	sdelay $0x3  }
0x34: {  	[smem:$0x3FBA] =	sst s10  }
0x35: {  	s10 =	sld [smem:$0x3FB9];
	_ =	sdelay $0x3  }
0x36: {  	p1 =	seq.s32 s10, $0x1;
	s10 =	sld [smem:$0x3FBA];
	_ =	sdelay $0x3  }
0x37: {  	[smem:$0x3FBA] =	sst s10  }
0x38: {  	s10 =	sld [smem:$0x3FBB]  }
0x39: {  	_ = 	snop;
	(pc) =	sbr.ind lr, $3  }
0x3a: {  	_ = 	snop  }
0x3b: {  	_ = 	snop  }
0x3c: {  	p2 =	seq.s32 s10, $0x1;
	s10 =	sld [smem:$0x3FBA]  }
0x3d: {  	_ =	shalt  }
0x3e: {  	_ =	shalt  }
0x3f: {  	_ =	shalt  }
0x40: {  	_ =	shalt  }
0x41: {  	_ =	shalt  }
0x42: {  	_ =	shalt  }
0x43: {  	_ =	shalt  }
0x44: {  	_ =	shalt  }
0x45: {  	_ =	shalt  }
0x46: {  	_ =	shalt  }
0x47: {  	_ =	shalt  }
0x48: {  	_ =	shalt  }
0x49: {  	_ =	shalt  }
0x4a: {  	_ =	shalt  }
0x4b: {  	_ =	shalt  }
0x4c: {  	_ =	shalt  }
0x4d: {  	_ =	shalt  }
0x4e: {  	_ =	shalt  }
0x4f: {  	_ =	shalt  }
0x50: {  	_ =	shalt  }
0x51: {  	_ =	shalt  }
0x52: {  	_ =	shalt  }
0x53: {  	_ =	shalt  }
0x54: {  	_ =	shalt  }
0x55: {  	_ =	shalt  }
0x56: {  	_ =	shalt  }
0x57: {  	_ =	shalt  }
0x58: {  	_ =	shalt  }
0x59: {  	_ =	shalt  }
0x5a: {  	_ =	shalt  }
0x5b: {  	_ =	shalt  }
0x5c: {  	_ =	shalt  }
0x5d: {  	_ =	shalt  }
0x5e: {  	_ =	shalt  }
0x5f: {  	_ =	shalt  }
0x60: {  	_ =	shalt  }
0x61: {  	_ =	shalt  }
0x62: {  	_ =	shalt  }
0x63: {  	_ =	shalt  }
0x64: {  	_ =	shalt  }
0x65: {  	_ =	shalt  }
0x66: {  	_ =	shalt  }
0x67: {  	_ =	shalt  }
0x68: {  	_ =	shalt  }
0x69: {  	_ =	shalt  }
0x6a: {  	_ =	shalt  }
0x6b: {  	_ =	shalt  }
0x6c: {  	_ =	shalt  }
0x6d: {  	_ =	shalt  }
0x6e: {  	_ =	shalt  }
0x6f: {  	_ =	shalt  }
0x70: {  	_ =	shalt  }
0x71: {  	_ =	shalt  }
0x72: {  	_ =	shalt  }
0x73: {  	_ =	shalt  }
0x74: {  	_ =	shalt  }
0x75: {  	_ =	shalt  }
0x76: {  	_ =	shalt  }
0x77: {  	_ =	shalt  }
0x78: {  	_ =	shalt  }
0x79: {  	_ =	shalt  }
0x7a: {  	_ =	shalt  }
0x7b: {  	_ =	shalt  }
0x7c: {  	_ =	shalt  }
0x7d: {  	_ =	shalt  }
0x7e: {  	_ =	shalt  }
0x7f: {  	_ =	shalt  }
0x80: {  	_ =	shalt  }
0x81: {  	_ =	shalt  }
0x82: {  	_ =	shalt  }
0x83: {  	_ =	shalt  }
0x84: {  	_ =	shalt  }
0x85: {  	_ =	shalt  }
0x86: {  	_ =	shalt  }
0x87: {  	_ =	shalt  }
.Lfunc_end0:
.L_simem_size_0:
called_computation_lowered:
.L_overlay_start_0:
0x88: {  	s2 =	sld [smem:$0x3FD9]  }
0x89: {  	s3 =	sld [smem:$0x3FFE];
	_ =	sdelay $0x1  }
0x8a: {  	s1 =	srdreg.scid  }
0x8b: {  	s0 =	sand.u32 $0x1, s1  }
0x8c: {  	s18 =	sshll.u32 s0, $0xA;
	s2 =	sadd.s32 s3, s2  }
0x8d: {  	s2 =	sadd.s32 s2, s18  }
0x8e: {  	[smem:$0x3FC6] =	sst s2  }
0x8f: {  	_ = 	snop  }
0x90: {  	s2 =	sld [smem:$0x3FC9]  }
0x91: {  	s19 =	sld [smem:$0x3FC8]  }
0x92: {  	s4 =	sld [smem:$0x3FD0];
	(tm) =	ssettm $0x1  }
0x93: {  	s5 =	sld [smem:$0x3FFB];
	_ =	sdelay $0x3  }
0x94: {  	_ =	strace s5  }
0x95: {  	s5 =	sld [smem:$0x3FFC];
	_ =	sdelay $0x3  }
0x96: {  	_ =	strace s5  }
0x97: {  	s5 =	sld [smem:$0x3FFD];
	_ =	sdelay $0x3  }
0x98: {  	_ =	strace s5  }
0x99: {  	_ =	strace $0x8FFFFFFF  }
0x9a: {  	s20 =	sld [smem:$0x3FDB];
	_ =	sdelay $0x1  }
0x9b: {  	s6 =	simm.s32 $_scs_section_size  }
0x9c: {  	s7 =	simm.s32 $_size__tile_overlayer_lowered;
	s8 =	simm.s32 $_tile_overlayer_lowered  }
0x9d: {  	s23 =	simm.s32 $0x1BFF;
	s22 =	sshll.u32 s8, $0x1;
	s5 =	sadd.s32 s6, s20  }
0x9e: {  	s9 =	simm.s32 $0x0;
	s21 =	sshll.u32 s7, $0x1;
	s7 =	sadd.s32 s22, s5  }
0x9f: {  	[timem:s9], [sflag:s23] =	dma.local [hbm:s7], s21  }
0xa0: {  	_ =	swait.ge [sflag:s23], s21  }
0xa1: {  	s6 =	ssub.s32 $0x0, s21;
	[sflag:s23] =	ssyncset.done $0x0  }
0xa2: {  	[sflag:s23] =	ssyncadd.s32 s6;
	_ =	sdelay $0x1  }
0xa3: {  	s24 =	simm.s32 $0x1B8B  }
0xa4: {  	_ =	swait.ge [sflag:s24], $0x1  }
0xa5: {  	[sflag:s24] =	ssyncset.done $0x0  }
0xa6: {  	s25 =	simm.s32 $0x1B8E;
	[sflag:s24] =	ssyncadd.s32 $0xFFFFFFFF  }
0xa7: {  	s26 =	simm.s32 $execute0_lowered;
	[smem:$0x3FD2] =	sst s25  }
0xa8: {  	s6 =	sshll.u32 s26, $0x1;
	_ =	strace $0x80000046;
	[dreg:$0x1] =	wrdreg $0xFFFFFFFF  }
0xa9: {  	s28 =	simm.s32 $_size_execute0_lowered;
	s5 =	sadd.s32 s5, s6;
	[dreg:$0x0] =	wrdreg $0x0  }
0xaa: {  	s6 =	sshll.u32 s28, $0x1;
	[dreg:$0x2] =	wrdreg s5  }
0xab: {  	[dreg:$0x3] =	wrdreg s6  }
0xac: {  	[dreg:$0x4] =	wrdreg $0xC0  }
0xad: {  	_ =	task [dreg:s9], $0x5FFFF  }
0xae: {  	[dreg:$0x1] =	wrdreg $0xFFFFFFFF  }
0xaf: {  	[dreg:$0x0] =	wrdreg $0x60  }
0xb0: {  	[dreg:$0x2] =	wrdreg s2  }
0xb1: {  	[dreg:$0x3] =	wrdreg s19  }
0xb2: {  	[dreg:$0x4] =	wrdreg s4  }
0xb3: {  	[dreg:$0x5] =	wrdreg $0x9  }
0xb4: {  	_ =	task.clear_ibuf [dreg:s9], $0x6FFFF;
	_ =	strace $0x90000046  }
0xb5: {  	s29 =	simm.s32 $0x9;
	_ =	strace $0x80000048  }
0xb6: {  	_ =	swait.ge [sflag:s29], $0x1  }
0xb7: {  	[sflag:s29] =	ssyncadd.s32 $0xFFFFFFFF  }
0xb8: {  	_ =	strace $0x90000048  }
0xb9: {  	_ =	sfence  }
0xba: {  	s30 =	sld [smem:$0x0];
	_ =	sdelay $0x2  }
0xbb: {  	s31 =	sshll.u32 s1, $0xD;
	s1 =	sshrl.u32 s1, $0x2  }
0xbc: {  	s3 =	sand.u32 $0x4000, s31;
	s1 =	sadd.s32 s1, s30  }
0xbd: {  	s0 =	sor.u32 s3, s0;
	s1 =	sshll.u32 s1, $0x11  }
0xbe: {  	s0 =	sor.u32 s1, s0  }
0xbf: {  	s0 =	sadd.s32 $0x8F2B, s0  }
0xc0: {  	[sflag:s0] =	ssyncadd.remote.s32 $0x1  }
0xc1: {  	_ =	sfence.sel $0xFFFF  }
0xc2: {  	[dreg:$0x0] =	wrdreg $0xFFFFFFFF;
	(pc) =	sbr.abs _section_cstart, $3  }
0xc3: {  	[dreg:$0x1] =	wrdreg $0xFFFFFFFF  }
0xc4: {  	_ =	task.clear_ibuf [dreg:s9], $0x2FFFF;
	_ =	strace $0x9FFFFFFF  }
0xc5: {  	(tm) =	ssettm $0x7FFFFFFF  }
tec
execute0_lowered:
.L_overlay_start_1:
0x0: {  	(tag) =	ssettag $0x1  }
0x1: {  	s0 =	rddreg [dreg:$0x0]  }
0x2: {  	s2 =	rddreg [dreg:$0x1];
	s1 =	srdreg.scid  }
0x3: {  	s10 =	stileid.u32;
	s12 =	rddreg [dreg:$0x2];
	s3 =	simm.s32 $0x0  }
0x4: {  	s17 =	simm.s32 $0x3;
	s18 =	simm.s32 $0x80;
	s19 =	simm.s32 $0x6400  }
0x5: {  	s20 =	simm.s32 $0xA400;
	s22 =	simm.s32 $0xE400;
	s24 =	simm.s32 $0x12400  }
0x6: {  	s25 =	simm.s32 $0x1;
	s28 =	simm.s32 $0x16400;
	s29 =	simm.s32 $0x2  }
0x7: {  	s1 =	sand.u32 $0x1, s1;
	s4 =	sshll.u32 s10, $0x1;
	s13 =	smul.u32 $0xC8000, s10  }
0x8: {  	s5 =	sor.u32 s1, s4;
	s30 =	ssub.s32 $0x2, s1;
	s1 =	smul.u32 $0x64000, s1  }
0x9: {  	s21 =	simm.s32 $0x6380;
	[smem:$0x7FF] =	sst s3;
	s6 =	smul.u32 $0x64000, s5  }
0xa: {  	s23 =	simm.s32 $0x0;
	_ =	strace $0x80000047;
	s8 =	smul.u32 $0xC80, s5  }
0xb: {  	s7 =	sshrl.u32 s30, $0x1;
	s9 =	smul.u32 $0x320000, s5;
	s14 =	sadd.s32 s13, s12  }
0xc: {  	s15 =	ssub.s32 s30, s7;
	s1 =	sadd.s32 s1, s14;
	s4 =	sadd.s32 s12, s6  }
0xd: {  	s5 =	sadd.s32 s0, s8;
	s31 =	sshrl.u32 s9, $0x3;
	s15 =	smax.u32 s15, $0x1  }
0xe: {  	s16 =	sadd.s32 $0x4800, s1;
	s6 =	sadd.s32 $0x800, s4;
	s7 =	sadd.s32 $0x1000, s4  }
0xf: {  	s8 =	sadd.s32 $0x1800, s4;
	s9 =	sadd.s32 $0x2000, s4;
	s0 =	sadd.s32 s12, s31  }
0x10: {  	s10 =	sadd.s32 $0x61800, s0;
	s11 =	sadd.s32 $0x62000, s0;
	s12 =	sadd.s32 $0x62800, s0  }
0x11: {  	s13 =	sadd.s32 $0x63000, s0;
	s14 =	sadd.s32 $0x63800, s0;
	s0 =	simm.s32 $0x400  }
.LBB2_1:
0x12: {  	[tilespmem:s3], [sflag:$0x3] =	stream.linear.gather [hbm4b:s5+s3], $0x6400, $0x38;
	[tilespmem:$0x1A400] =	vst v63  }
0x13: {  	_ =	swait.ge [sflag:s17], $0x6400  }
0x14: {  	[sflag:s17] =	ssyncset.done $0x0  }
0x15: {  	[sflag:s17] =	ssyncadd.s32 $0xFFFF9C00  }
0x16: {  	[tilespmem:s19], [sflag:$0x1] =	stream.indirect.gather [hbm4b:s2+s18], $0x80, s3, s18, $0xb8;
	[tilespmem:$0x1A400] =	vst v63  }
0x17: {  	_ = 	snop  }
0x18: {  	[tilespmem:s20], [sflag:$0x1] =	stream.indirect.gather [hbm4b:s2+s18], $0x80, s18, s18, $0xb8;
	[tilespmem:$0x1A400] =	vst v63  }
0x19: {  	s1 =	simm.s32 $0x100  }
0x1a: {  	[tilespmem:s22], [sflag:$0x1] =	stream.indirect.gather [hbm4b:s2+s18], $0x80, s1, s18, $0xb8;
	[tilespmem:$0x1A400] =	vst v63  }
0x1b: {  	s26 =	simm.s32 $0x180  }
0x1c: {  	[tilespmem:s24], [sflag:$0x1] =	stream.indirect.gather [hbm4b:s2+s18], $0x80, s26, s18, $0xb8;
	[tilespmem:$0x1A400] =	vst v63  }
0x1d: {  	_ =	swait.ge [sflag:s25], $0x4000  }
0x1e: {  	[sflag:s25] =	ssyncset.done $0x0  }
0x1f: {  	[sflag:s25] =	ssyncadd.s32 $0xFFFFC000  }
0x20: {  	[hbm4b:s4+s3] =	stream.linear.scatter [tilespmem:s19], [sflag:$0x2], $0x4000, $0x38;
	[tilespmem:$0x1A400] =	vst v63  }
0x21: {  	s26 =	simm.s32 $0x200  }
0x22: {  	[tilespmem:s28], [sflag:$0x1] =	stream.indirect.gather [hbm4b:s2+s18], $0x80, s26, s18, $0xb8;
	[tilespmem:$0x1A400] =	vst v63  }
0x23: {  	_ =	swait.ge [sflag:s25], $0x4000  }
0x24: {  	[sflag:s25] =	ssyncset.done $0x0  }
0x25: {  	[sflag:s25] =	ssyncadd.s32 $0xFFFFC000  }
0x26: {  	[hbm4b:s6+s3] =	stream.linear.scatter [tilespmem:s20], [sflag:$0x2], $0x4000, $0x38;
	[tilespmem:$0x1A400] =	vst v63  }
0x27: {  	_ =	swait.ge [sflag:s29], $0x4000  }
0x28: {  	[sflag:s29] =	ssyncset.done $0x0  }
0x29: {  	s26 =	simm.s32 $0x280;
	[sflag:s29] =	ssyncadd.s32 $0xFFFFC000  }
0x2a: {  	[tilespmem:s19], [sflag:$0x1] =	stream.indirect.gather [hbm4b:s2+s18], $0x80, s26, s18, $0xb8;
	[tilespmem:$0x1A400] =	vst v63  }
0x2b: {  	_ =	swait.ge [sflag:s25], $0x4000  }
0x2c: {  	[sflag:s25] =	ssyncset.done $0x0  }
0x2d: {  	[sflag:s25] =	ssyncadd.s32 $0xFFFFC000  }
0x2e: {  	[hbm4b:s7+s3] =	stream.linear.scatter [tilespmem:s22], [sflag:$0x2], $0x4000, $0x38;
	[tilespmem:$0x1A400] =	vst v63  }
0x2f: {  	_ =	swait.ge [sflag:s29], $0x4000  }
0x30: {  	[sflag:s29] =	ssyncset.done $0x0  }
0x31: {  	s26 =	simm.s32 $0x300;
	[sflag:s29] =	ssyncadd.s32 $0xFFFFC000  }
0x32: {  	[tilespmem:s20], [sflag:$0x1] =	stream.indirect.gather [hbm4b:s2+s18], $0x80, s26, s18, $0xb8;
	[tilespmem:$0x1A400] =	vst v63  }
0x33: {  	_ =	swait.ge [sflag:s25], $0x4000  }
0x34: {  	[sflag:s25] =	ssyncset.done $0x0  }
0x35: {  	[sflag:s25] =	ssyncadd.s32 $0xFFFFC000  }
0x36: {  	[hbm4b:s8+s3] =	stream.linear.scatter [tilespmem:s24], [sflag:$0x2], $0x4000, $0x38;
	[tilespmem:$0x1A400] =	vst v63  }
0x37: {  	_ =	swait.ge [sflag:s29], $0x4000  }
0x38: {  	[sflag:s29] =	ssyncset.done $0x0  }
0x39: {  	s26 =	simm.s32 $0x380;
	[sflag:s29] =	ssyncadd.s32 $0xFFFFC000  }
0x3a: {  	[tilespmem:s22], [sflag:$0x1] =	stream.indirect.gather [hbm4b:s2+s18], $0x80, s26, s18, $0xb8;
	[tilespmem:$0x1A400] =	vst v63  }
0x3b: {  	_ =	swait.ge [sflag:s25], $0x4000  }
0x3c: {  	[sflag:s25] =	ssyncset.done $0x0  }
0x3d: {  	[sflag:s25] =	ssyncadd.s32 $0xFFFFC000  }
0x3e: {  	[hbm4b:s9+s3] =	stream.linear.scatter [tilespmem:s28], [sflag:$0x2], $0x4000, $0x38;
	[tilespmem:$0x1A400] =	vst v63  }
0x3f: {  	_ =	swait.ge [sflag:s29], $0x4000  }
0x40: {  	[sflag:s29] =	ssyncset.done $0x0  }
0x41: {  	[sflag:s29] =	ssyncadd.s32 $0xFFFFC000  }
0x42: {  	[tilespmem:s24], [sflag:$0x1] =	stream.indirect.gather [hbm4b:s2+s18], $0x80, s0, s18, $0xb8;
	[tilespmem:$0x1A400] =	vst v63  }
0x43: {  	_ =	swait.ge [sflag:s25], $0x4000  }
0x44: {  	[sflag:s25] =	ssyncset.done $0x0  }
0x45: {  	s26 =	sadd.s32 $0xFFFFE000, s16;
	[sflag:s25] =	ssyncadd.s32 $0xFFFFC000  }
0x46: {  	[hbm4b:s26+s3] =	stream.linear.scatter [tilespmem:s19], [sflag:$0x2], $0x4000, $0x38;
	[tilespmem:$0x1A400] =	vst v63  }
0x47: {  	_ =	swait.ge [sflag:s29], $0x4000  }
0x48: {  	[sflag:s29] =	ssyncset.done $0x0  }
0x49: {  	s1 =	simm.s32 $0x480;
	[sflag:s29] =	ssyncadd.s32 $0xFFFFC000  }
0x4a: {  	[tilespmem:s28], [sflag:$0x1] =	stream.indirect.gather [hbm4b:s2+s18], $0x80, s1, s18, $0xb8;
	[tilespmem:$0x1A400] =	vst v63  }
0x4b: {  	_ =	swait.ge [sflag:s25], $0x4000  }
0x4c: {  	[sflag:s25] =	ssyncset.done $0x0  }
0x4d: {  	s1 =	sadd.s32 $0xFFFFE800, s16;
	[sflag:s25] =	ssyncadd.s32 $0xFFFFC000  }
0x4e: {  	[hbm4b:s1+s3] =	stream.linear.scatter [tilespmem:s20], [sflag:$0x2], $0x4000, $0x38;
	[tilespmem:$0x1A400] =	vst v63  }
0x4f: {  	_ =	swait.ge [sflag:s29], $0x4000  }
0x50: {  	[sflag:s29] =	ssyncset.done $0x0  }
0x51: {  	s1 =	simm.s32 $0x500;
	[sflag:s29] =	ssyncadd.s32 $0xFFFFC000  }
0x52: {  	[tilespmem:s19], [sflag:$0x1] =	stream.indirect.gather [hbm4b:s2+s18], $0x80, s1, s18, $0xb8;
	[tilespmem:$0x1A400] =	vst v63  }
0x53: {  	_ =	swait.ge [sflag:s25], $0x4000  }
0x54: {  	[sflag:s25] =	ssyncset.done $0x0  }
0x55: {  	s1 =	sadd.s32 $0xFFFFF000, s16;
	[sflag:s25] =	ssyncadd.s32 $0xFFFFC000  }
0x56: {  	[hbm4b:s1+s3] =	stream.linear.scatter [tilespmem:s22], [sflag:$0x2], $0x4000, $0x38;
	[tilespmem:$0x1A400] =	vst v63  }
0x57: {  	_ =	swait.ge [sflag:s29], $0x4000  }
0x58: {  	[sflag:s29] =	ssyncset.done $0x0  }
0x59: {  	s1 =	simm.s32 $0x580;
	[sflag:s29] =	ssyncadd.s32 $0xFFFFC000  }
0x5a: {  	[tilespmem:s20], [sflag:$0x1] =	stream.indirect.gather [hbm4b:s2+s18], $0x80, s1, s18, $0xb8;
	[tilespmem:$0x1A400] =	vst v63  }
0x5b: {  	_ =	swait.ge [sflag:s25], $0x4000  }
0x5c: {  	[sflag:s25] =	ssyncset.done $0x0  }
0x5d: {  	s1 =	sadd.s32 $0xFFFFF800, s16;
	[sflag:s25] =	ssyncadd.s32 $0xFFFFC000  }
0x5e: {  	[hbm4b:s1+s3] =	stream.linear.scatter [tilespmem:s24], [sflag:$0x2], $0x4000, $0x38;
	[tilespmem:$0x1A400] =	vst v63  }
0x5f: {  	_ =	swait.ge [sflag:s29], $0x4000  }
0x60: {  	[sflag:s29] =	ssyncset.done $0x0  }
0x61: {  	s1 =	simm.s32 $0x600;
	[sflag:s29] =	ssyncadd.s32 $0xFFFFC000  }
0x62: {  	[tilespmem:s22], [sflag:$0x1] =	stream.indirect.gather [hbm4b:s2+s18], $0x80, s1, s18, $0xb8;
	[tilespmem:$0x1A400] =	vst v63  }
0x63: {  	_ =	swait.ge [sflag:s25], $0x4000  }
0x64: {  	[sflag:s25] =	ssyncset.done $0x0  }
0x65: {  	[sflag:s25] =	ssyncadd.s32 $0xFFFFC000  }
0x66: {  	[hbm4b:s16+s3] =	stream.linear.scatter [tilespmem:s28], [sflag:$0x2], $0x4000, $0x38;
	[tilespmem:$0x1A400] =	vst v63  }
0x67: {  	_ =	swait.ge [sflag:s29], $0x4000  }
0x68: {  	s31 =	simm.s32 $0x680;
	[sflag:s29] =	ssyncset.done $0x0  }
0x69: {  	s30 =	sadd.s32 $0x2800, s16;
	s26 =	simm.s32 $0xA00;
	[sflag:s29] =	ssyncadd.s32 $0xFFFFC000  }
.LBB2_2:
0x6a: {  	[tilespmem:s24], [sflag:$0x1] =	stream.indirect.gather [hbm4b:s2+s18], $0x80, s31, s18, $0xb8;
	[tilespmem:$0x1A400] =	vst v63  }
0x6b: {  	s31 =	smov.u32 s26  }
0x6c: {  	p0 =	sne.s32 s26, $0x17200;
	s26 =	sadd.s32 $0xA00, s26;
	_ =	swait.ge [sflag:s25], $0x4000  }
0x6d: {  	[sflag:s25] =	ssyncset.done $0x0  }
0x6e: {  	s1 =	sadd.s32 $0xFFFFE000, s30;
	[sflag:s25] =	ssyncadd.s32 $0xFFFFC000  }
0x6f: {  	[hbm4b:s1+s3] =	stream.linear.scatter [tilespmem:s19], [sflag:$0x2], $0x4000, $0x38;
	[tilespmem:$0x1A400] =	vst v63  }
0x70: {  	_ =	swait.ge [sflag:s29], $0x4000  }
0x71: {  	s31 =	sshra.s32 s31, $0x2;
	[sflag:s29] =	ssyncset.done $0x0  }
0x72: {  	s1 =	sadd.s32 $0x480, s31;
	[sflag:s29] =	ssyncadd.s32 $0xFFFFC000  }
0x73: {  	[tilespmem:s28], [sflag:$0x1] =	stream.indirect.gather [hbm4b:s2+s18], $0x80, s1, s18, $0xb8;
	[tilespmem:$0x1A400] =	vst v63  }
0x74: {  	_ =	swait.ge [sflag:s25], $0x4000  }
0x75: {  	[sflag:s25] =	ssyncset.done $0x0  }
0x76: {  	s1 =	sadd.s32 $0xFFFFE800, s30;
	[sflag:s25] =	ssyncadd.s32 $0xFFFFC000  }
0x77: {  	[hbm4b:s1+s3] =	stream.linear.scatter [tilespmem:s20], [sflag:$0x2], $0x4000, $0x38;
	[tilespmem:$0x1A400] =	vst v63  }
0x78: {  	_ =	swait.ge [sflag:s29], $0x4000  }
0x79: {  	[sflag:s29] =	ssyncset.done $0x0  }
0x7a: {  	s1 =	sadd.s32 $0x500, s31;
	[sflag:s29] =	ssyncadd.s32 $0xFFFFC000  }
0x7b: {  	[tilespmem:s19], [sflag:$0x1] =	stream.indirect.gather [hbm4b:s2+s18], $0x80, s1, s18, $0xb8;
	[tilespmem:$0x1A400] =	vst v63  }
0x7c: {  	_ =	swait.ge [sflag:s25], $0x4000  }
0x7d: {  	[sflag:s25] =	ssyncset.done $0x0  }
0x7e: {  	s1 =	sadd.s32 $0xFFFFF000, s30;
	[sflag:s25] =	ssyncadd.s32 $0xFFFFC000  }
0x7f: {  	[hbm4b:s1+s3] =	stream.linear.scatter [tilespmem:s22], [sflag:$0x2], $0x4000, $0x38;
	[tilespmem:$0x1A400] =	vst v63  }
0x80: {  	_ =	swait.ge [sflag:s29], $0x4000  }
0x81: {  	[sflag:s29] =	ssyncset.done $0x0  }
0x82: {  	s1 =	sadd.s32 $0x580, s31;
	[sflag:s29] =	ssyncadd.s32 $0xFFFFC000  }
0x83: {  	[tilespmem:s20], [sflag:$0x1] =	stream.indirect.gather [hbm4b:s2+s18], $0x80, s1, s18, $0xb8;
	[tilespmem:$0x1A400] =	vst v63  }
0x84: {  	_ =	swait.ge [sflag:s25], $0x4000  }
0x85: {  	[sflag:s25] =	ssyncset.done $0x0  }
0x86: {  	s1 =	sadd.s32 $0xFFFFF800, s30;
	[sflag:s25] =	ssyncadd.s32 $0xFFFFC000  }
0x87: {  	[hbm4b:s1+s3] =	stream.linear.scatter [tilespmem:s24], [sflag:$0x2], $0x4000, $0x38;
	[tilespmem:$0x1A400] =	vst v63  }
0x88: {  	_ =	swait.ge [sflag:s29], $0x4000  }
0x89: {  	[sflag:s29] =	ssyncset.done $0x0  }
0x8a: {  	s1 =	sadd.s32 $0x600, s31;
	[sflag:s29] =	ssyncadd.s32 $0xFFFFC000  }
0x8b: {  	[tilespmem:s22], [sflag:$0x1] =	stream.indirect.gather [hbm4b:s2+s18], $0x80, s1, s18, $0xb8;
	[tilespmem:$0x1A400] =	vst v63  }
0x8c: {  	_ =	swait.ge [sflag:s25], $0x4000  }
0x8d: {  	[sflag:s25] =	ssyncset.done $0x0  }
.Ltmp0:
0x8e: {  	[sflag:s25] =	ssyncadd.s32 $0xFFFFC000;
	(pc) =	sbr.rel @p0 .LBB2_2-.Ltmp0, $4  }
0x8f: {  	[hbm4b:s30+s3] =	stream.linear.scatter [tilespmem:s28], [sflag:$0x2], $0x4000, $0x38;
	[tilespmem:$0x1A400] =	vst v63  }
0x90: {  	_ =	swait.ge [sflag:s29], $0x4000  }
0x91: {  	[sflag:s29] =	ssyncset.done $0x0  }
0x92: {  	s31 =	sadd.s32 $0x680, s31;
	s30 =	sadd.s32 $0x2800, s30;
	[sflag:s29] =	ssyncadd.s32 $0xFFFFC000  }
0x93: {  	[tilespmem:s24], [sflag:$0x1] =	stream.indirect.gather [hbm4b:s2+s18], $0x80, s31, s18, $0xb8;
	[tilespmem:$0x1A400] =	vst v63  }
0x94: {  	_ =	swait.ge [sflag:s25], $0x4000  }
0x95: {  	[sflag:s25] =	ssyncset.done $0x0  }
0x96: {  	[sflag:s25] =	ssyncadd.s32 $0xFFFFC000  }
0x97: {  	[hbm4b:s10+s3] =	stream.linear.scatter [tilespmem:s19], [sflag:$0x2], $0x4000, $0x38;
	[tilespmem:$0x1A400] =	vst v63  }
0x98: {  	_ =	swait.ge [sflag:s29], $0x4000  }
0x99: {  	[sflag:s29] =	ssyncset.done $0x0  }
0x9a: {  	[sflag:s29] =	ssyncadd.s32 $0xFFFFC000  }
0x9b: {  	[tilespmem:s28], [sflag:$0x1] =	stream.indirect.gather [hbm4b:s2+s18], $0x80, s21, s18, $0xb8;
	[tilespmem:$0x1A400] =	vst v63  }
0x9c: {  	_ =	swait.ge [sflag:s25], $0x4000  }
0x9d: {  	[sflag:s25] =	ssyncset.done $0x0  }
0x9e: {  	[sflag:s25] =	ssyncadd.s32 $0xFFFFC000  }
0x9f: {  	[hbm4b:s11+s3] =	stream.linear.scatter [tilespmem:s20], [sflag:$0x2], $0x4000, $0x38;
	[tilespmem:$0x1A400] =	vst v63  }
0xa0: {  	_ =	swait.ge [sflag:s29], $0x4000  }
0xa1: {  	[sflag:s29] =	ssyncset.done $0x0  }
0xa2: {  	[sflag:s29] =	ssyncadd.s32 $0xFFFFC000  }
0xa3: {  	_ =	swait.ge [sflag:s25], $0x4000  }
0xa4: {  	[sflag:s25] =	ssyncset.done $0x0  }
0xa5: {  	[sflag:s25] =	ssyncadd.s32 $0xFFFFC000  }
0xa6: {  	[hbm4b:s12+s3] =	stream.linear.scatter [tilespmem:s22], [sflag:$0x2], $0x4000, $0x38;
	[tilespmem:$0x1A400] =	vst v63  }
0xa7: {  	_ =	swait.ge [sflag:s29], $0x4000  }
0xa8: {  	[sflag:s29] =	ssyncset.done $0x0  }
0xa9: {  	[sflag:s29] =	ssyncadd.s32 $0xFFFFC000  }
0xaa: {  	_ =	swait.ge [sflag:s25], $0x4000  }
0xab: {  	[sflag:s25] =	ssyncset.done $0x0  }
0xac: {  	[sflag:s25] =	ssyncadd.s32 $0xFFFFC000  }
0xad: {  	[hbm4b:s13+s3] =	stream.linear.scatter [tilespmem:s24], [sflag:$0x2], $0x4000, $0x38;
	[tilespmem:$0x1A400] =	vst v63  }
0xae: {  	_ =	swait.ge [sflag:s29], $0x4000  }
0xaf: {  	[sflag:s29] =	ssyncset.done $0x0  }
0xb0: {  	[sflag:s29] =	ssyncadd.s32 $0xFFFFC000  }
0xb1: {  	_ =	swait.ge [sflag:s25], $0x4000  }
0xb2: {  	[sflag:s25] =	ssyncset.done $0x0  }
0xb3: {  	s23 =	sadd.s32 $0x1, s23;
	[sflag:s25] =	ssyncadd.s32 $0xFFFFC000  }
0xb4: {  	[hbm4b:s14+s3] =	stream.linear.scatter [tilespmem:s28], [sflag:$0x2], $0x4000, $0x38;
	[tilespmem:$0x1A400] =	vst v63  }
0xb5: {  	p0 =	sne.s32 s23, s15;
	_ =	swait.ge [sflag:s29], $0x4000  }
.Ltmp1:
0xb6: {  	[sflag:s29] =	ssyncset.done $0x0;
	(pc) =	sbr.rel @p0 .LBB2_1-.Ltmp1, $4  }
0xb7: {  	[sflag:s29] =	ssyncadd.s32 $0xFFFFC000  }
0xb8: {  	_ =	swait.ge [sflag:s29], $0x4000  }
0xb9: {  	[sflag:s29] =	ssyncset.done $0x0  }
0xba: {  	[sflag:s29] =	ssyncadd.s32 $0xFFFFC000  }
0xbb: {  	_ =	sfence.sel $0x180000  }
0xbc: {  	[bflag:$0x0] =	sbarrier.arrive $0xFFFF  }
0xbd: {  	_ =	strace $0x90000047  }
0xbe: {  	s0 =	stileid.u32;
	[bflag:$0x2] =	sbarrier.arrive $0xFFFF  }
0xbf: {  	p0 =	sne.s32 s0, $0x0;
	s0 =	rddreg [dreg:$0x3]  }
0xc0: {  	s0 =	sadd.s32 @!p0 $0x100000, s0  }
0xc1: {  	[sflag:s0] =	ssyncadd.tile.s32 @!p0 $0x1;
	_ =	shalt  }
.Lfunc_end2:
_tile_overlayer_lowered:
.L_overlay_start_2:
0xc2: {  	(tag) =	ssettag $0x2  }
0xc3: {  	s0 =	rddreg [dreg:$0x0];
	s2 =	stileid.u32  }
0xc4: {  	s1 =	rddreg [dreg:$0x1];
	p0 =	sne.s32 s2, $0x0  }
0xc5: {  	s3 =	rddreg [dreg:$0x2];
	[bflag:$0x3] =	sbarrier.arrive $0xFFFF;
	s2 =	simm.s32 @!p0 $0x1C03  }
0xc6: {  	[timem:s3], [sflag:s2] =	dma.local @!p0 [hbm:s0], s1  }
0xc7: {  	s0 =	simm.s32 @!p0 $0x3  }
0xc8: {  	_ =	swait.ge @!p0 [sflag:s0], s1  }
0xc9: {  	s1 =	ssub.s32 @!p0 $0x0, s1;
	[sflag:s0] =	ssyncset.done @!p0 $0x0  }
0xca: {  	[sflag:s0] =	ssyncadd.s32 @!p0 s1  }
0xcb: {  	[bflag:$0x3] =	sbarrier.arrive $0xFFFF  }
0xcc: {  	_ =	shalt  }

</sc_bundles>
